<compile_context>
chip_gen: v7x
topology: tpu7x:2x2x1
jax: 0.10.2.dev20260603
libtpu: 0.0.44.dev20260713+nightly
codegen_flags: <defaults>
</compile_context>

<pallas_src>
import functools

import jax
import jax.numpy as jnp
from jax import lax
from jax.experimental import pallas as pl
from jax.experimental.pallas import tpu as pltpu
from jax.experimental.pallas import tpu_sc as plsc

_N_DOMAINS = 100000
_DOMAIN_DIM = 32
_BATCH = 16384

_info = plsc.get_sparse_core_info()
_NC = _info.num_cores
_NS = _info.num_subcores
_NW = _NC * _NS
_B_PER_W = _BATCH // _NW
_GROUPS = _B_PER_W // 16

@functools.partial(
    pl.kernel,
    mesh=plsc.VectorSubcoreMesh(core_axis_name="c", subcore_axis_name="s"),
    out_type=jax.ShapeDtypeStruct((_BATCH // 4, 128), jnp.float32),
    scratch_types=[
        pltpu.VMEM((_B_PER_W,), jnp.int32),
        pltpu.VMEM((_B_PER_W // 4, 128), jnp.float32),
        pltpu.VMEM((_B_PER_W // 4, 128), jnp.float32),
        pltpu.SemaphoreType.DMA,
    ],
    compiler_params=pltpu.CompilerParams(needs_layout_passes=False),
)
def _gather_kernel(idx_hbm, table_hbm, out_hbm, idx_v, rows_v, m2_v, sem):
    wid = lax.axis_index("s") * _NC + lax.axis_index("c")
    base = wid * _B_PER_W
    pltpu.sync_copy(idx_hbm.at[pl.ds(base, _B_PER_W)], idx_v)

    @plsc.parallel_loop(0, _GROUPS, unroll=2)
    def _fire(g):
        vec = idx_v[pl.ds(g * 16, 16)]
        for l in range(16):
            i = jnp.squeeze(lax.slice(vec, (l,), (l + 1,)))
            r4 = g * 4 + l // 4
            pltpu.async_copy(
                table_hbm.at[i],
                rows_v.at[r4, pl.ds((l % 4) * 32, 32)],
                sem,
            )
    pltpu.make_async_copy(
        out_hbm.at[pl.ds(0, _B_PER_W // 4)], rows_v, sem
    ).wait()

    iota = lax.iota(jnp.int32, 16)
    rowbase = [((((q * 16) + iota) >> 3) << 5) + (((q * 16) + iota) & 7) for q in (0, 1)]
    zeros = jnp.full((16,), 0, jnp.int32)

    @plsc.parallel_loop(0, 4 * _GROUPS, unroll=4)
    def _trans(j4):
        rb0 = j4 * 4
        rbh = (rb0 >> 7) << 3
        for q in range(8):
            rb = rb0 + (q >> 1)
            dst_row = rowbase[q & 1] + rbh
            dst_col = zeros + (rb & 127)
            x = rows_v[j4, pl.ds(q * 16, 16)]
            plsc.store_scatter(m2_v, [dst_row, dst_col], x)
    for tr in range(4):
        pltpu.sync_copy(
            m2_v.at[pl.ds(tr * 32, 32)],
            out_hbm.at[pl.ds(tr * (_BATCH // 16) + wid * 32, 32)],
        )


def kernel(domains, table):
    m2 = _gather_kernel(domains.astype(jnp.int32), table)
    return (
        m2.reshape(4, 128, 8, 128)
        .transpose(1, 3, 0, 2)
        .reshape(_BATCH, _DOMAIN_DIM)
    )

# --- scband reference (transcript-rebuilt; emitter-appended) ---
"""Pipeline reference for scband-domain-embedding-50053548867675 (READ-ONLY COPY).

The authoritative reference and input builder live on the scoring server;
editing this copy changes nothing except your own understanding.
"""

import jax, jax.numpy as jnp
import numpy as np

N_DOMAINS = 100000
DOMAIN_DIM = 32
BATCH = 16384

def setup_inputs(seed: int = 0) -> dict:
    key = jax.random.key(seed)
    k_idx, k_tab = jax.random.split(key)
    domains = jax.random.randint(k_idx, (BATCH,), 0, N_DOMAINS, dtype=jnp.int64) if jax.config.jax_enable_x64 else jax.random.randint(k_idx, (BATCH,), 0, N_DOMAINS, dtype=jnp.int32)
    # nn.Embedding default init: N(0, 1)
    table = jax.random.normal(k_tab, (N_DOMAINS, DOMAIN_DIM), dtype=jnp.float32)
    return {"domains": domains, "table": table}

def reference(domains, table):
    # DomainEmbedding.forward: return {'domain-feature': self.embedding(batch['domains'])}
    # Embedding lookup == row gather from the table.
    out = jnp.take(table, domains, axis=0)
    return out

if __name__ == "__main__":
    import jax
    _d = setup_inputs()
    print(jax.jit(kernel)(*tuple(_d.values())))

</pallas_src>

<mosaic_0001>
#map = affine_map<(d0, d1) -> (0)>
#map1 = affine_map<(d0, d1) -> (0, 0)>
module attributes {stable_mosaic.version = 14 : i64} {
  func.func @_gather_kernel(%arg0: i32, %arg1: i32, %arg2: memref<16384xi32, #tpu.memory_space<hbm>>, %arg3: memref<100000x32xf32, #tpu.memory_space<hbm>>, %arg4: memref<4096x128xf32, #tpu.memory_space<hbm>>, %arg5: memref<512xi32, #tpu.memory_space<vmem>>, %arg6: memref<128x128xf32, #tpu.memory_space<vmem>>, %arg7: memref<128x128xf32, #tpu.memory_space<vmem>>, %arg8: memref<!tpu.dma_semaphore, #tpu.memory_space<semaphore_mem>>) attributes {dimension_semantics = [#tpu.dimension_semantics<core_parallel>, #tpu.dimension_semantics<subcore_parallel>], iteration_bounds = array<i64: 2, 16>, scalar_prefetch = 0 : i64, scratch_operands = 4 : i64, tpu.core_type = #tpu.core_type<sc_vector_subcore>, window_params = [{transform_indices = #map}, {transform_indices = #map1}, {transform_indices = #map1}]} {
    %mul3A = arith.constant 2 : i32
    %mul3A_0 = arith.muli %arg1, %mul3A : i32
    %add3A = arith.addi %mul3A_0, %arg0 : i32
    %mul3A_1 = arith.constant 512 : i32
    %mul3A_2 = arith.muli %add3A, %mul3A_1 : i32
    "tpu.region"() ({
      %run_scoped3A = tpu.sem_alloc : memref<!tpu.dma_semaphore, #tpu.memory_space<semaphore_mem>>
      %dma_start3A = tpu.memref_slice %arg2[%mul3A_2] : memref<16384xi32, #tpu.memory_space<hbm>> -> memref<512xi32, #tpu.memory_space<hbm>>
      %dma_start3A_59 = tpu.memref_slice %arg2[%mul3A_2] : memref<16384xi32, #tpu.memory_space<hbm>> -> memref<512xi32, #tpu.memory_space<hbm>>
      tpu.enqueue_dma source(%dma_start3A_59 : memref<512xi32, #tpu.memory_space<hbm>>) target(%arg5 : memref<512xi32, #tpu.memory_space<vmem>>) target_semaphore(%run_scoped3A : memref<!tpu.dma_semaphore, #tpu.memory_space<semaphore_mem>>)
      %dma_wait3A_60 = tpu.memref_slice %arg2[%mul3A_2] : memref<16384xi32, #tpu.memory_space<hbm>> -> memref<512xi32, #tpu.memory_space<hbm>>
      %dma_wait3A_61 = tpu.memref_slice %arg2[%mul3A_2] : memref<16384xi32, #tpu.memory_space<hbm>> -> memref<512xi32, #tpu.memory_space<hbm>>
      tpu.wait_dma2 semaphore(%run_scoped3A : memref<!tpu.dma_semaphore, #tpu.memory_space<semaphore_mem>>) src(%dma_wait3A_61 : memref<512xi32, #tpu.memory_space<hbm>>) dst(%arg5 : memref<512xi32, #tpu.memory_space<vmem>>)
      tpu.yield
    }) : () -> ()
    %parallel_loop3A = arith.constant 0 : i32
    %parallel_loop3A_3 = arith.constant 32 : i32
    %parallel_loop3A_4 = arith.constant 1 : i32
    scf.for %parallel_loop3A_59 = %parallel_loop3A to %parallel_loop3A_3 step %parallel_loop3A_4  : i32 {
      %parallel_loop3A_60 = arith.constant 16 : i32
      %parallel_loop3A_61 = arith.muli %parallel_loop3A_59, %parallel_loop3A_60 : i32
      %parallel_loop3A_62 = arith.index_cast %parallel_loop3A_61 : i32 to index
      %parallel_loop3A_63 = tpu.vector_load %arg5[%parallel_loop3A_62] {strides = array<i32>} : memref<512xi32, #tpu.memory_space<vmem>>, vector<16xi32>,
      %parallel_loop3A_64 = vector.extract_strided_slice %parallel_loop3A_63 {offsets = [0], sizes = [1], strides = [1]} : vector<16xi32> to vector<1xi32>
      %parallel_loop3A_65 = vector.extract %parallel_loop3A_64[0] : i32 from vector<1xi32>
      %parallel_loop3A_66 = arith.constant 4 : i32
      %parallel_loop3A_67 = arith.muli %parallel_loop3A_59, %parallel_loop3A_66 : i32
      %parallel_loop3A_68 = arith.constant 0 : i32
      %parallel_loop3A_69 = arith.addi %parallel_loop3A_67, %parallel_loop3A_68 : i32
      %parallel_loop3A_70 = arith.constant 0 : i32
      %parallel_loop3A_71 = tpu.memref_slice %arg6[%parallel_loop3A_69, %parallel_loop3A_70] : memref<128x128xf32, #tpu.memory_space<vmem>> -> memref<1x32xf32, #tpu.memory_space<vmem>>
      %parallel_loop3A_72 = tpu.memref_squeeze %parallel_loop3A_71 : memref<1x32xf32, #tpu.memory_space<vmem>> -> memref<32xf32, #tpu.memory_space<vmem>>
      %parallel_loop3A_73 = arith.constant 0 : i32
      %parallel_loop3A_74 = tpu.memref_slice %arg3[%parallel_loop3A_65, %parallel_loop3A_73] : memref<100000x32xf32, #tpu.memory_space<hbm>> -> memref<1x32xf32, #tpu.memory_space<hbm>>
      %parallel_loop3A_75 = tpu.memref_squeeze %parallel_loop3A_74 : memref<1x32xf32, #tpu.memory_space<hbm>> -> memref<32xf32, #tpu.memory_space<hbm>>
      %parallel_loop3A_76 = arith.constant 0 : i32
      %parallel_loop3A_77 = tpu.memref_slice %arg6[%parallel_loop3A_69, %parallel_loop3A_76] : memref<128x128xf32, #tpu.memory_space<vmem>> -> memref<1x32xf32, #tpu.memory_space<vmem>>
      %parallel_loop3A_78 = tpu.memref_squeeze %parallel_loop3A_77 : memref<1x32xf32, #tpu.memory_space<vmem>> -> memref<32xf32, #tpu.memory_space<vmem>>
      %parallel_loop3A_79 = arith.constant 0 : i32
      %parallel_loop3A_80 = tpu.memref_slice %arg3[%parallel_loop3A_65, %parallel_loop3A_79] : memref<100000x32xf32, #tpu.memory_space<hbm>> -> memref<1x32xf32, #tpu.memory_space<hbm>>
      %parallel_loop3A_81 = tpu.memref_squeeze %parallel_loop3A_80 : memref<1x32xf32, #tpu.memory_space<hbm>> -> memref<32xf32, #tpu.memory_space<hbm>>
      tpu.enqueue_dma source(%parallel_loop3A_81 : memref<32xf32, #tpu.memory_space<hbm>>) target(%parallel_loop3A_78 : memref<32xf32, #tpu.memory_space<vmem>>) target_semaphore(%arg8 : memref<!tpu.dma_semaphore, #tpu.memory_space<semaphore_mem>>)
      %parallel_loop3A_82 = vector.extract_strided_slice %parallel_loop3A_63 {offsets = [1], sizes = [1], strides = [1]} : vector<16xi32> to vector<1xi32>
      %parallel_loop3A_83 = vector.extract %parallel_loop3A_82[0] : i32 from vector<1xi32>
      %parallel_loop3A_84 = arith.constant 4 : i32
      %parallel_loop3A_85 = arith.muli %parallel_loop3A_59, %parallel_loop3A_84 : i32
      %parallel_loop3A_86 = arith.constant 0 : i32
      %parallel_loop3A_87 = arith.addi %parallel_loop3A_85, %parallel_loop3A_86 : i32
      %parallel_loop3A_88 = arith.constant 32 : i32
      %parallel_loop3A_89 = tpu.memref_slice %arg6[%parallel_loop3A_87, %parallel_loop3A_88] : memref<128x128xf32, #tpu.memory_space<vmem>> -> memref<1x32xf32, #tpu.memory_space<vmem>>
      %parallel_loop3A_90 = tpu.memref_squeeze %parallel_loop3A_89 : memref<1x32xf32, #tpu.memory_space<vmem>> -> memref<32xf32, #tpu.memory_space<vmem>>
      %parallel_loop3A_91 = arith.constant 0 : i32
      %parallel_loop3A_92 = tpu.memref_slice %arg3[%parallel_loop3A_83, %parallel_loop3A_91] : memref<100000x32xf32, #tpu.memory_space<hbm>> -> memref<1x32xf32, #tpu.memory_space<hbm>>
      %parallel_loop3A_93 = tpu.memref_squeeze %parallel_loop3A_92 : memref<1x32xf32, #tpu.memory_space<hbm>> -> memref<32xf32, #tpu.memory_space<hbm>>
      %parallel_loop3A_94 = arith.constant 32 : i32
      %parallel_loop3A_95 = tpu.memref_slice %arg6[%parallel_loop3A_87, %parallel_loop3A_94] : memref<128x128xf32, #tpu.memory_space<vmem>> -> memref<1x32xf32, #tpu.memory_space<vmem>>
      %parallel_loop3A_96 = tpu.memref_squeeze %parallel_loop3A_95 : memref<1x32xf32, #tpu.memory_space<vmem>> -> memref<32xf32, #tpu.memory_space<vmem>>
      %parallel_loop3A_97 = arith.constant 0 : i32
      %parallel_loop3A_98 = tpu.memref_slice %arg3[%parallel_loop3A_83, %parallel_loop3A_97] : memref<100000x32xf32, #tpu.memory_space<hbm>> -> memref<1x32xf32, #tpu.memory_space<hbm>>
      %parallel_loop3A_99 = tpu.memref_squeeze %parallel_loop3A_98 : memref<1x32xf32, #tpu.memory_space<hbm>> -> memref<32xf32, #tpu.memory_space<hbm>>
      tpu.enqueue_dma source(%parallel_loop3A_99 : memref<32xf32, #tpu.memory_space<hbm>>) target(%parallel_loop3A_96 : memref<32xf32, #tpu.memory_space<vmem>>) target_semaphore(%arg8 : memref<!tpu.dma_semaphore, #tpu.memory_space<semaphore_mem>>)
      %parallel_loop3A_100 = vector.extract_strided_slice %parallel_loop3A_63 {offsets = [2], sizes = [1], strides = [1]} : vector<16xi32> to vector<1xi32>
      %parallel_loop3A_101 = vector.extract %parallel_loop3A_100[0] : i32 from vector<1xi32>
      %parallel_loop3A_102 = arith.constant 4 : i32
      %parallel_loop3A_103 = arith.muli %parallel_loop3A_59, %parallel_loop3A_102 : i32
      %parallel_loop3A_104 = arith.constant 0 : i32
      %parallel_loop3A_105 = arith.addi %parallel_loop3A_103, %parallel_loop3A_104 : i32
      %parallel_loop3A_106 = arith.constant 64 : i32
      %parallel_loop3A_107 = tpu.memref_slice %arg6[%parallel_loop3A_105, %parallel_loop3A_106] : memref<128x128xf32, #tpu.memory_space<vmem>> -> memref<1x32xf32, #tpu.memory_space<vmem>>
      %parallel_loop3A_108 = tpu.memref_squeeze %parallel_loop3A_107 : memref<1x32xf32, #tpu.memory_space<vmem>> -> memref<32xf32, #tpu.memory_space<vmem>>
      %parallel_loop3A_109 = arith.constant 0 : i32
      %parallel_loop3A_110 = tpu.memref_slice %arg3[%parallel_loop3A_101, %parallel_loop3A_109] : memref<100000x32xf32, #tpu.memory_space<hbm>> -> memref<1x32xf32, #tpu.memory_space<hbm>>
      %parallel_loop3A_111 = tpu.memref_squeeze %parallel_loop3A_110 : memref<1x32xf32, #tpu.memory_space<hbm>> -> memref<32xf32, #tpu.memory_space<hbm>>
      %parallel_loop3A_112 = arith.constant 64 : i32
      %parallel_loop3A_113 = tpu.memref_slice %arg6[%parallel_loop3A_105, %parallel_loop3A_112] : memref<128x128xf32, #tpu.memory_space<vmem>> -> memref<1x32xf32, #tpu.memory_space<vmem>>
      %parallel_loop3A_114 = tpu.memref_squeeze %parallel_loop3A_113 : memref<1x32xf32, #tpu.memory_space<vmem>> -> memref<32xf32, #tpu.memory_space<vmem>>
      %parallel_loop3A_115 = arith.constant 0 : i32
      %parallel_loop3A_116 = tpu.memref_slice %arg3[%parallel_loop3A_101, %parallel_loop3A_115] : memref<100000x32xf32, #tpu.memory_space<hbm>> -> memref<1x32xf32, #tpu.memory_space<hbm>>
      %parallel_loop3A_117 = tpu.memref_squeeze %parallel_loop3A_116 : memref<1x32xf32, #tpu.memory_space<hbm>> -> memref<32xf32, #tpu.memory_space<hbm>>
      tpu.enqueue_dma source(%parallel_loop3A_117 : memref<32xf32, #tpu.memory_space<hbm>>) target(%parallel_loop3A_114 : memref<32xf32, #tpu.memory_space<vmem>>) target_semaphore(%arg8 : memref<!tpu.dma_semaphore, #tpu.memory_space<semaphore_mem>>)
      %parallel_loop3A_118 = vector.extract_strided_slice %parallel_loop3A_63 {offsets = [3], sizes = [1], strides = [1]} : vector<16xi32> to vector<1xi32>
      %parallel_loop3A_119 = vector.extract %parallel_loop3A_118[0] : i32 from vector<1xi32>
      %parallel_loop3A_120 = arith.constant 4 : i32
      %parallel_loop3A_121 = arith.muli %parallel_loop3A_59, %parallel_loop3A_120 : i32
      %parallel_loop3A_122 = arith.constant 0 : i32
      %parallel_loop3A_123 = arith.addi %parallel_loop3A_121, %parallel_loop3A_122 : i32
      %parallel_loop3A_124 = arith.constant 96 : i32
      %parallel_loop3A_125 = tpu.memref_slice %arg6[%parallel_loop3A_123, %parallel_loop3A_124] : memref<128x128xf32, #tpu.memory_space<vmem>> -> memref<1x32xf32, #tpu.memory_space<vmem>>
      %parallel_loop3A_126 = tpu.memref_squeeze %parallel_loop3A_125 : memref<1x32xf32, #tpu.memory_space<vmem>> -> memref<32xf32, #tpu.memory_space<vmem>>
      %parallel_loop3A_127 = arith.constant 0 : i32
      %parallel_loop3A_128 = tpu.memref_slice %arg3[%parallel_loop3A_119, %parallel_loop3A_127] : memref<100000x32xf32, #tpu.memory_space<hbm>> -> memref<1x32xf32, #tpu.memory_space<hbm>>
      %parallel_loop3A_129 = tpu.memref_squeeze %parallel_loop3A_128 : memref<1x32xf32, #tpu.memory_space<hbm>> -> memref<32xf32, #tpu.memory_space<hbm>>
      %parallel_loop3A_130 = arith.constant 96 : i32
      %parallel_loop3A_131 = tpu.memref_slice %arg6[%parallel_loop3A_123, %parallel_loop3A_130] : memref<128x128xf32, #tpu.memory_space<vmem>> -> memref<1x32xf32, #tpu.memory_space<vmem>>
      %parallel_loop3A_132 = tpu.memref_squeeze %parallel_loop3A_131 : memref<1x32xf32, #tpu.memory_space<vmem>> -> memref<32xf32, #tpu.memory_space<vmem>>
      %parallel_loop3A_133 = arith.constant 0 : i32
      %parallel_loop3A_134 = tpu.memref_slice %arg3[%parallel_loop3A_119, %parallel_loop3A_133] : memref<100000x32xf32, #tpu.memory_space<hbm>> -> memref<1x32xf32, #tpu.memory_space<hbm>>
      %parallel_loop3A_135 = tpu.memref_squeeze %parallel_loop3A_134 : memref<1x32xf32, #tpu.memory_space<hbm>> -> memref<32xf32, #tpu.memory_space<hbm>>
      tpu.enqueue_dma source(%parallel_loop3A_135 : memref<32xf32, #tpu.memory_space<hbm>>) target(%parallel_loop3A_132 : memref<32xf32, #tpu.memory_space<vmem>>) target_semaphore(%arg8 : memref<!tpu.dma_semaphore, #tpu.memory_space<semaphore_mem>>)
      %parallel_loop3A_136 = vector.extract_strided_slice %parallel_loop3A_63 {offsets = [4], sizes = [1], strides = [1]} : vector<16xi32> to vector<1xi32>
      %parallel_loop3A_137 = vector.extract %parallel_loop3A_136[0] : i32 from vector<1xi32>
      %parallel_loop3A_138 = arith.constant 4 : i32
      %parallel_loop3A_139 = arith.muli %parallel_loop3A_59, %parallel_loop3A_138 : i32
      %parallel_loop3A_140 = arith.constant 1 : i32
      %parallel_loop3A_141 = arith.addi %parallel_loop3A_139, %parallel_loop3A_140 : i32
      %parallel_loop3A_142 = arith.constant 0 : i32
      %parallel_loop3A_143 = tpu.memref_slice %arg6[%parallel_loop3A_141, %parallel_loop3A_142] : memref<128x128xf32, #tpu.memory_space<vmem>> -> memref<1x32xf32, #tpu.memory_space<vmem>>
      %parallel_loop3A_144 = tpu.memref_squeeze %parallel_loop3A_143 : memref<1x32xf32, #tpu.memory_space<vmem>> -> memref<32xf32, #tpu.memory_space<vmem>>
      %parallel_loop3A_145 = arith.constant 0 : i32
      %parallel_loop3A_146 = tpu.memref_slice %arg3[%parallel_loop3A_137, %parallel_loop3A_145] : memref<100000x32xf32, #tpu.memory_space<hbm>> -> memref<1x32xf32, #tpu.memory_space<hbm>>
      %parallel_loop3A_147 = tpu.memref_squeeze %parallel_loop3A_146 : memref<1x32xf32, #tpu.memory_space<hbm>> -> memref<32xf32, #tpu.memory_space<hbm>>
      %parallel_loop3A_148 = arith.constant 0 : i32
      %parallel_loop3A_149 = tpu.memref_slice %arg6[%parallel_loop3A_141, %parallel_loop3A_148] : memref<128x128xf32, #tpu.memory_space<vmem>> -> memref<1x32xf32, #tpu.memory_space<vmem>>
      %parallel_loop3A_150 = tpu.memref_squeeze %parallel_loop3A_149 : memref<1x32xf32, #tpu.memory_space<vmem>> -> memref<32xf32, #tpu.memory_space<vmem>>
      %parallel_loop3A_151 = arith.constant 0 : i32
      %parallel_loop3A_152 = tpu.memref_slice %arg3[%parallel_loop3A_137, %parallel_loop3A_151] : memref<100000x32xf32, #tpu.memory_space<hbm>> -> memref<1x32xf32, #tpu.memory_space<hbm>>
      %parallel_loop3A_153 = tpu.memref_squeeze %parallel_loop3A_152 : memref<1x32xf32, #tpu.memory_space<hbm>> -> memref<32xf32, #tpu.memory_space<hbm>>
      tpu.enqueue_dma source(%parallel_loop3A_153 : memref<32xf32, #tpu.memory_space<hbm>>) target(%parallel_loop3A_150 : memref<32xf32, #tpu.memory_space<vmem>>) target_semaphore(%arg8 : memref<!tpu.dma_semaphore, #tpu.memory_space<semaphore_mem>>)
      %parallel_loop3A_154 = vector.extract_strided_slice %parallel_loop3A_63 {offsets = [5], sizes = [1], strides = [1]} : vector<16xi32> to vector<1xi32>
      %parallel_loop3A_155 = vector.extract %parallel_loop3A_154[0] : i32 from vector<1xi32>
      %parallel_loop3A_156 = arith.constant 4 : i32
      %parallel_loop3A_157 = arith.muli %parallel_loop3A_59, %parallel_loop3A_156 : i32
      %parallel_loop3A_158 = arith.constant 1 : i32
      %parallel_loop3A_159 = arith.addi %parallel_loop3A_157, %parallel_loop3A_158 : i32
      %parallel_loop3A_160 = arith.constant 32 : i32
      %parallel_loop3A_161 = tpu.memref_slice %arg6[%parallel_loop3A_159, %parallel_loop3A_160] : memref<128x128xf32, #tpu.memory_space<vmem>> -> memref<1x32xf32, #tpu.memory_space<vmem>>
      %parallel_loop3A_162 = tpu.memref_squeeze %parallel_loop3A_161 : memref<1x32xf32, #tpu.memory_space<vmem>> -> memref<32xf32, #tpu.memory_space<vmem>>
      %parallel_loop3A_163 = arith.constant 0 : i32
      %parallel_loop3A_164 = tpu.memref_slice %arg3[%parallel_loop3A_155, %parallel_loop3A_163] : memref<100000x32xf32, #tpu.memory_space<hbm>> -> memref<1x32xf32, #tpu.memory_space<hbm>>
      %parallel_loop3A_165 = tpu.memref_squeeze %parallel_loop3A_164 : memref<1x32xf32, #tpu.memory_space<hbm>> -> memref<32xf32, #tpu.memory_space<hbm>>
      %parallel_loop3A_166 = arith.constant 32 : i32
      %parallel_loop3A_167 = tpu.memref_slice %arg6[%parallel_loop3A_159, %parallel_loop3A_166] : memref<128x128xf32, #tpu.memory_space<vmem>> -> memref<1x32xf32, #tpu.memory_space<vmem>>
      %parallel_loop3A_168 = tpu.memref_squeeze %parallel_loop3A_167 : memref<1x32xf32, #tpu.memory_space<vmem>> -> memref<32xf32, #tpu.memory_space<vmem>>
      %parallel_loop3A_169 = arith.constant 0 : i32
      %parallel_loop3A_170 = tpu.memref_slice %arg3[%parallel_loop3A_155, %parallel_loop3A_169] : memref<100000x32xf32, #tpu.memory_space<hbm>> -> memref<1x32xf32, #tpu.memory_space<hbm>>
      %parallel_loop3A_171 = tpu.memref_squeeze %parallel_loop3A_170 : memref<1x32xf32, #tpu.memory_space<hbm>> -> memref<32xf32, #tpu.memory_space<hbm>>
      tpu.enqueue_dma source(%parallel_loop3A_171 : memref<32xf32, #tpu.memory_space<hbm>>) target(%parallel_loop3A_168 : memref<32xf32, #tpu.memory_space<vmem>>) target_semaphore(%arg8 : memref<!tpu.dma_semaphore, #tpu.memory_space<semaphore_mem>>)
      %parallel_loop3A_172 = vector.extract_strided_slice %parallel_loop3A_63 {offsets = [6], sizes = [1], strides = [1]} : vector<16xi32> to vector<1xi32>
      %parallel_loop3A_173 = vector.extract %parallel_loop3A_172[0] : i32 from vector<1xi32>
      %parallel_loop3A_174 = arith.constant 4 : i32
      %parallel_loop3A_175 = arith.muli %parallel_loop3A_59, %parallel_loop3A_174 : i32
      %parallel_loop3A_176 = arith.constant 1 : i32
      %parallel_loop3A_177 = arith.addi %parallel_loop3A_175, %parallel_loop3A_176 : i32
      %parallel_loop3A_178 = arith.constant 64 : i32
      %parallel_loop3A_179 = tpu.memref_slice %arg6[%parallel_loop3A_177, %parallel_loop3A_178] : memref<128x128xf32, #tpu.memory_space<vmem>> -> memref<1x32xf32, #tpu.memory_space<vmem>>
      %parallel_loop3A_180 = tpu.memref_squeeze %parallel_loop3A_179 : memref<1x32xf32, #tpu.memory_space<vmem>> -> memref<32xf32, #tpu.memory_space<vmem>>
      %parallel_loop3A_181 = arith.constant 0 : i32
      %parallel_loop3A_182 = tpu.memref_slice %arg3[%parallel_loop3A_173, %parallel_loop3A_181] : memref<100000x32xf32, #tpu.memory_space<hbm>> -> memref<1x32xf32, #tpu.memory_space<hbm>>
      %parallel_loop3A_183 = tpu.memref_squeeze %parallel_loop3A_182 : memref<1x32xf32, #tpu.memory_space<hbm>> -> memref<32xf32, #tpu.memory_space<hbm>>
      %parallel_loop3A_184 = arith.constant 64 : i32
      %parallel_loop3A_185 = tpu.memref_slice %arg6[%parallel_loop3A_177, %parallel_loop3A_184] : memref<128x128xf32, #tpu.memory_space<vmem>> -> memref<1x32xf32, #tpu.memory_space<vmem>>
      %parallel_loop3A_186 = tpu.memref_squeeze %parallel_loop3A_185 : memref<1x32xf32, #tpu.memory_space<vmem>> -> memref<32xf32, #tpu.memory_space<vmem>>
      %parallel_loop3A_187 = arith.constant 0 : i32
      %parallel_loop3A_188 = tpu.memref_slice %arg3[%parallel_loop3A_173, %parallel_loop3A_187] : memref<100000x32xf32, #tpu.memory_space<hbm>> -> memref<1x32xf32, #tpu.memory_space<hbm>>
      %parallel_loop3A_189 = tpu.memref_squeeze %parallel_loop3A_188 : memref<1x32xf32, #tpu.memory_space<hbm>> -> memref<32xf32, #tpu.memory_space<hbm>>
      tpu.enqueue_dma source(%parallel_loop3A_189 : memref<32xf32, #tpu.memory_space<hbm>>) target(%parallel_loop3A_186 : memref<32xf32, #tpu.memory_space<vmem>>) target_semaphore(%arg8 : memref<!tpu.dma_semaphore, #tpu.memory_space<semaphore_mem>>)
      %parallel_loop3A_190 = vector.extract_strided_slice %parallel_loop3A_63 {offsets = [7], sizes = [1], strides = [1]} : vector<16xi32> to vector<1xi32>
      %parallel_loop3A_191 = vector.extract %parallel_loop3A_190[0] : i32 from vector<1xi32>
      %parallel_loop3A_192 = arith.constant 4 : i32
      %parallel_loop3A_193 = arith.muli %parallel_loop3A_59, %parallel_loop3A_192 : i32
      %parallel_loop3A_194 = arith.constant 1 : i32
      %parallel_loop3A_195 = arith.addi %parallel_loop3A_193, %parallel_loop3A_194 : i32
      %parallel_loop3A_196 = arith.constant 96 : i32
      %parallel_loop3A_197 = tpu.memref_slice %arg6[%parallel_loop3A_195, %parallel_loop3A_196] : memref<128x128xf32, #tpu.memory_space<vmem>> -> memref<1x32xf32, #tpu.memory_space<vmem>>
      %parallel_loop3A_198 = tpu.memref_squeeze %parallel_loop3A_197 : memref<1x32xf32, #tpu.memory_space<vmem>> -> memref<32xf32, #tpu.memory_space<vmem>>
      %parallel_loop3A_199 = arith.constant 0 : i32
      %parallel_loop3A_200 = tpu.memref_slice %arg3[%parallel_loop3A_191, %parallel_loop3A_199] : memref<100000x32xf32, #tpu.memory_space<hbm>> -> memref<1x32xf32, #tpu.memory_space<hbm>>
      %parallel_loop3A_201 = tpu.memref_squeeze %parallel_loop3A_200 : memref<1x32xf32, #tpu.memory_space<hbm>> -> memref<32xf32, #tpu.memory_space<hbm>>
      %parallel_loop3A_202 = arith.constant 96 : i32
      %parallel_loop3A_203 = tpu.memref_slice %arg6[%parallel_loop3A_195, %parallel_loop3A_202] : memref<128x128xf32, #tpu.memory_space<vmem>> -> memref<1x32xf32, #tpu.memory_space<vmem>>
      %parallel_loop3A_204 = tpu.memref_squeeze %parallel_loop3A_203 : memref<1x32xf32, #tpu.memory_space<vmem>> -> memref<32xf32, #tpu.memory_space<vmem>>
      %parallel_loop3A_205 = arith.constant 0 : i32
      %parallel_loop3A_206 = tpu.memref_slice %arg3[%parallel_loop3A_191, %parallel_loop3A_205] : memref<100000x32xf32, #tpu.memory_space<hbm>> -> memref<1x32xf32, #tpu.memory_space<hbm>>
      %parallel_loop3A_207 = tpu.memref_squeeze %parallel_loop3A_206 : memref<1x32xf32, #tpu.memory_space<hbm>> -> memref<32xf32, #tpu.memory_space<hbm>>
      tpu.enqueue_dma source(%parallel_loop3A_207 : memref<32xf32, #tpu.memory_space<hbm>>) target(%parallel_loop3A_204 : memref<32xf32, #tpu.memory_space<vmem>>) target_semaphore(%arg8 : memref<!tpu.dma_semaphore, #tpu.memory_space<semaphore_mem>>)
      %parallel_loop3A_208 = vector.extract_strided_slice %parallel_loop3A_63 {offsets = [8], sizes = [1], strides = [1]} : vector<16xi32> to vector<1xi32>
      %parallel_loop3A_209 = vector.extract %parallel_loop3A_208[0] : i32 from vector<1xi32>
      %parallel_loop3A_210 = arith.constant 4 : i32
      %parallel_loop3A_211 = arith.muli %parallel_loop3A_59, %parallel_loop3A_210 : i32
      %parallel_loop3A_212 = arith.constant 2 : i32
      %parallel_loop3A_213 = arith.addi %parallel_loop3A_211, %parallel_loop3A_212 : i32
      %parallel_loop3A_214 = arith.constant 0 : i32
      %parallel_loop3A_215 = tpu.memref_slice %arg6[%parallel_loop3A_213, %parallel_loop3A_214] : memref<128x128xf32, #tpu.memory_space<vmem>> -> memref<1x32xf32, #tpu.memory_space<vmem>>
      %parallel_loop3A_216 = tpu.memref_squeeze %parallel_loop3A_215 : memref<1x32xf32, #tpu.memory_space<vmem>> -> memref<32xf32, #tpu.memory_space<vmem>>
      %parallel_loop3A_217 = arith.constant 0 : i32
      %parallel_loop3A_218 = tpu.memref_slice %arg3[%parallel_loop3A_209, %parallel_loop3A_217] : memref<100000x32xf32, #tpu.memory_space<hbm>> -> memref<1x32xf32, #tpu.memory_space<hbm>>
      %parallel_loop3A_219 = tpu.memref_squeeze %parallel_loop3A_218 : memref<1x32xf32, #tpu.memory_space<hbm>> -> memref<32xf32, #tpu.memory_space<hbm>>
      %parallel_loop3A_220 = arith.constant 0 : i32
      %parallel_loop3A_221 = tpu.memref_slice %arg6[%parallel_loop3A_213, %parallel_loop3A_220] : memref<128x128xf32, #tpu.memory_space<vmem>> -> memref<1x32xf32, #tpu.memory_space<vmem>>
      %parallel_loop3A_222 = tpu.memref_squeeze %parallel_loop3A_221 : memref<1x32xf32, #tpu.memory_space<vmem>> -> memref<32xf32, #tpu.memory_space<vmem>>
      %parallel_loop3A_223 = arith.constant 0 : i32
      %parallel_loop3A_224 = tpu.memref_slice %arg3[%parallel_loop3A_209, %parallel_loop3A_223] : memref<100000x32xf32, #tpu.memory_space<hbm>> -> memref<1x32xf32, #tpu.memory_space<hbm>>
      %parallel_loop3A_225 = tpu.memref_squeeze %parallel_loop3A_224 : memref<1x32xf32, #tpu.memory_space<hbm>> -> memref<32xf32, #tpu.memory_space<hbm>>
      tpu.enqueue_dma source(%parallel_loop3A_225 : memref<32xf32, #tpu.memory_space<hbm>>) target(%parallel_loop3A_222 : memref<32xf32, #tpu.memory_space<vmem>>) target_semaphore(%arg8 : memref<!tpu.dma_semaphore, #tpu.memory_space<semaphore_mem>>)
      %parallel_loop3A_226 = vector.extract_strided_slice %parallel_loop3A_63 {offsets = [9], sizes = [1], strides = [1]} : vector<16xi32> to vector<1xi32>
      %parallel_loop3A_227 = vector.extract %parallel_loop3A_226[0] : i32 from vector<1xi32>
      %parallel_loop3A_228 = arith.constant 4 : i32
      %parallel_loop3A_229 = arith.muli %parallel_loop3A_59, %parallel_loop3A_228 : i32
      %parallel_loop3A_230 = arith.constant 2 : i32
      %parallel_loop3A_231 = arith.addi %parallel_loop3A_229, %parallel_loop3A_230 : i32
      %parallel_loop3A_232 = arith.constant 32 : i32
      %parallel_loop3A_233 = tpu.memref_slice %arg6[%parallel_loop3A_231, %parallel_loop3A_232] : memref<128x128xf32, #tpu.memory_space<vmem>> -> memref<1x32xf32, #tpu.memory_space<vmem>>
      %parallel_loop3A_234 = tpu.memref_squeeze %parallel_loop3A_233 : memref<1x32xf32, #tpu.memory_space<vmem>> -> memref<32xf32, #tpu.memory_space<vmem>>
      %parallel_loop3A_235 = arith.constant 0 : i32
      %parallel_loop3A_236 = tpu.memref_slice %arg3[%parallel_loop3A_227, %parallel_loop3A_235] : memref<100000x32xf32, #tpu.memory_space<hbm>> -> memref<1x32xf32, #tpu.memory_space<hbm>>
      %parallel_loop3A_237 = tpu.memref_squeeze %parallel_loop3A_236 : memref<1x32xf32, #tpu.memory_space<hbm>> -> memref<32xf32, #tpu.memory_space<hbm>>
      %parallel_loop3A_238 = arith.constant 32 : i32
      %parallel_loop3A_239 = tpu.memref_slice %arg6[%parallel_loop3A_231, %parallel_loop3A_238] : memref<128x128xf32, #tpu.memory_space<vmem>> -> memref<1x32xf32, #tpu.memory_space<vmem>>
      %parallel_loop3A_240 = tpu.memref_squeeze %parallel_loop3A_239 : memref<1x32xf32, #tpu.memory_space<vmem>> -> memref<32xf32, #tpu.memory_space<vmem>>
      %parallel_loop3A_241 = arith.constant 0 : i32
      %parallel_loop3A_242 = tpu.memref_slice %arg3[%parallel_loop3A_227, %parallel_loop3A_241] : memref<100000x32xf32, #tpu.memory_space<hbm>> -> memref<1x32xf32, #tpu.memory_space<hbm>>
      %parallel_loop3A_243 = tpu.memref_squeeze %parallel_loop3A_242 : memref<1x32xf32, #tpu.memory_space<hbm>> -> memref<32xf32, #tpu.memory_space<hbm>>
      tpu.enqueue_dma source(%parallel_loop3A_243 : memref<32xf32, #tpu.memory_space<hbm>>) target(%parallel_loop3A_240 : memref<32xf32, #tpu.memory_space<vmem>>) target_semaphore(%arg8 : memref<!tpu.dma_semaphore, #tpu.memory_space<semaphore_mem>>)
      %parallel_loop3A_244 = vector.extract_strided_slice %parallel_loop3A_63 {offsets = [10], sizes = [1], strides = [1]} : vector<16xi32> to vector<1xi32>
      %parallel_loop3A_245 = vector.extract %parallel_loop3A_244[0] : i32 from vector<1xi32>
      %parallel_loop3A_246 = arith.constant 4 : i32
      %parallel_loop3A_247 = arith.muli %parallel_loop3A_59, %parallel_loop3A_246 : i32
      %parallel_loop3A_248 = arith.constant 2 : i32
      %parallel_loop3A_249 = arith.addi %parallel_loop3A_247, %parallel_loop3A_248 : i32
      %parallel_loop3A_250 = arith.constant 64 : i32
      %parallel_loop3A_251 = tpu.memref_slice %arg6[%parallel_loop3A_249, %parallel_loop3A_250] : memref<128x128xf32, #tpu.memory_space<vmem>> -> memref<1x32xf32, #tpu.memory_space<vmem>>
      %parallel_loop3A_252 = tpu.memref_squeeze %parallel_loop3A_251 : memref<1x32xf32, #tpu.memory_space<vmem>> -> memref<32xf32, #tpu.memory_space<vmem>>
      %parallel_loop3A_253 = arith.constant 0 : i32
      %parallel_loop3A_254 = tpu.memref_slice %arg3[%parallel_loop3A_245, %parallel_loop3A_253] : memref<100000x32xf32, #tpu.memory_space<hbm>> -> memref<1x32xf32, #tpu.memory_space<hbm>>
      %parallel_loop3A_255 = tpu.memref_squeeze %parallel_loop3A_254 : memref<1x32xf32, #tpu.memory_space<hbm>> -> memref<32xf32, #tpu.memory_space<hbm>>
      %parallel_loop3A_256 = arith.constant 64 : i32
      %parallel_loop3A_257 = tpu.memref_slice %arg6[%parallel_loop3A_249, %parallel_loop3A_256] : memref<128x128xf32, #tpu.memory_space<vmem>> -> memref<1x32xf32, #tpu.memory_space<vmem>>
      %parallel_loop3A_258 = tpu.memref_squeeze %parallel_loop3A_257 : memref<1x32xf32, #tpu.memory_space<vmem>> -> memref<32xf32, #tpu.memory_space<vmem>>
      %parallel_loop3A_259 = arith.constant 0 : i32
      %parallel_loop3A_260 = tpu.memref_slice %arg3[%parallel_loop3A_245, %parallel_loop3A_259] : memref<100000x32xf32, #tpu.memory_space<hbm>> -> memref<1x32xf32, #tpu.memory_space<hbm>>
      %parallel_loop3A_261 = tpu.memref_squeeze %parallel_loop3A_260 : memref<1x32xf32, #tpu.memory_space<hbm>> -> memref<32xf32, #tpu.memory_space<hbm>>
      tpu.enqueue_dma source(%parallel_loop3A_261 : memref<32xf32, #tpu.memory_space<hbm>>) target(%parallel_loop3A_258 : memref<32xf32, #tpu.memory_space<vmem>>) target_semaphore(%arg8 : memref<!tpu.dma_semaphore, #tpu.memory_space<semaphore_mem>>)
      %parallel_loop3A_262 = vector.extract_strided_slice %parallel_loop3A_63 {offsets = [11], sizes = [1], strides = [1]} : vector<16xi32> to vector<1xi32>
      %parallel_loop3A_263 = vector.extract %parallel_loop3A_262[0] : i32 from vector<1xi32>
      %parallel_loop3A_264 = arith.constant 4 : i32
      %parallel_loop3A_265 = arith.muli %parallel_loop3A_59, %parallel_loop3A_264 : i32
      %parallel_loop3A_266 = arith.constant 2 : i32
      %parallel_loop3A_267 = arith.addi %parallel_loop3A_265, %parallel_loop3A_266 : i32
      %parallel_loop3A_268 = arith.constant 96 : i32
      %parallel_loop3A_269 = tpu.memref_slice %arg6[%parallel_loop3A_267, %parallel_loop3A_268] : memref<128x128xf32, #tpu.memory_space<vmem>> -> memref<1x32xf32, #tpu.memory_space<vmem>>
      %parallel_loop3A_270 = tpu.memref_squeeze %parallel_loop3A_269 : memref<1x32xf32, #tpu.memory_space<vmem>> -> memref<32xf32, #tpu.memory_space<vmem>>
      %parallel_loop3A_271 = arith.constant 0 : i32
      %parallel_loop3A_272 = tpu.memref_slice %arg3[%parallel_loop3A_263, %parallel_loop3A_271] : memref<100000x32xf32, #tpu.memory_space<hbm>> -> memref<1x32xf32, #tpu.memory_space<hbm>>
      %parallel_loop3A_273 = tpu.memref_squeeze %parallel_loop3A_272 : memref<1x32xf32, #tpu.memory_space<hbm>> -> memref<32xf32, #tpu.memory_space<hbm>>
      %parallel_loop3A_274 = arith.constant 96 : i32
      %parallel_loop3A_275 = tpu.memref_slice %arg6[%parallel_loop3A_267, %parallel_loop3A_274] : memref<128x128xf32, #tpu.memory_space<vmem>> -> memref<1x32xf32, #tpu.memory_space<vmem>>
      %parallel_loop3A_276 = tpu.memref_squeeze %parallel_loop3A_275 : memref<1x32xf32, #tpu.memory_space<vmem>> -> memref<32xf32, #tpu.memory_space<vmem>>
      %parallel_loop3A_277 = arith.constant 0 : i32
      %parallel_loop3A_278 = tpu.memref_slice %arg3[%parallel_loop3A_263, %parallel_loop3A_277] : memref<100000x32xf32, #tpu.memory_space<hbm>> -> memref<1x32xf32, #tpu.memory_space<hbm>>
      %parallel_loop3A_279 = tpu.memref_squeeze %parallel_loop3A_278 : memref<1x32xf32, #tpu.memory_space<hbm>> -> memref<32xf32, #tpu.memory_space<hbm>>
      tpu.enqueue_dma source(%parallel_loop3A_279 : memref<32xf32, #tpu.memory_space<hbm>>) target(%parallel_loop3A_276 : memref<32xf32, #tpu.memory_space<vmem>>) target_semaphore(%arg8 : memref<!tpu.dma_semaphore, #tpu.memory_space<semaphore_mem>>)
      %parallel_loop3A_280 = vector.extract_strided_slice %parallel_loop3A_63 {offsets = [12], sizes = [1], strides = [1]} : vector<16xi32> to vector<1xi32>
      %parallel_loop3A_281 = vector.extract %parallel_loop3A_280[0] : i32 from vector<1xi32>
      %parallel_loop3A_282 = arith.constant 4 : i32
      %parallel_loop3A_283 = arith.muli %parallel_loop3A_59, %parallel_loop3A_282 : i32
      %parallel_loop3A_284 = arith.constant 3 : i32
      %parallel_loop3A_285 = arith.addi %parallel_loop3A_283, %parallel_loop3A_284 : i32
      %parallel_loop3A_286 = arith.constant 0 : i32
      %parallel_loop3A_287 = tpu.memref_slice %arg6[%parallel_loop3A_285, %parallel_loop3A_286] : memref<128x128xf32, #tpu.memory_space<vmem>> -> memref<1x32xf32, #tpu.memory_space<vmem>>
      %parallel_loop3A_288 = tpu.memref_squeeze %parallel_loop3A_287 : memref<1x32xf32, #tpu.memory_space<vmem>> -> memref<32xf32, #tpu.memory_space<vmem>>
      %parallel_loop3A_289 = arith.constant 0 : i32
      %parallel_loop3A_290 = tpu.memref_slice %arg3[%parallel_loop3A_281, %parallel_loop3A_289] : memref<100000x32xf32, #tpu.memory_space<hbm>> -> memref<1x32xf32, #tpu.memory_space<hbm>>
      %parallel_loop3A_291 = tpu.memref_squeeze %parallel_loop3A_290 : memref<1x32xf32, #tpu.memory_space<hbm>> -> memref<32xf32, #tpu.memory_space<hbm>>
      %parallel_loop3A_292 = arith.constant 0 : i32
      %parallel_loop3A_293 = tpu.memref_slice %arg6[%parallel_loop3A_285, %parallel_loop3A_292] : memref<128x128xf32, #tpu.memory_space<vmem>> -> memref<1x32xf32, #tpu.memory_space<vmem>>
      %parallel_loop3A_294 = tpu.memref_squeeze %parallel_loop3A_293 : memref<1x32xf32, #tpu.memory_space<vmem>> -> memref<32xf32, #tpu.memory_space<vmem>>
      %parallel_loop3A_295 = arith.constant 0 : i32
      %parallel_loop3A_296 = tpu.memref_slice %arg3[%parallel_loop3A_281, %parallel_loop3A_295] : memref<100000x32xf32, #tpu.memory_space<hbm>> -> memref<1x32xf32, #tpu.memory_space<hbm>>
      %parallel_loop3A_297 = tpu.memref_squeeze %parallel_loop3A_296 : memref<1x32xf32, #tpu.memory_space<hbm>> -> memref<32xf32, #tpu.memory_space<hbm>>
      tpu.enqueue_dma source(%parallel_loop3A_297 : memref<32xf32, #tpu.memory_space<hbm>>) target(%parallel_loop3A_294 : memref<32xf32, #tpu.memory_space<vmem>>) target_semaphore(%arg8 : memref<!tpu.dma_semaphore, #tpu.memory_space<semaphore_mem>>)
      %parallel_loop3A_298 = vector.extract_strided_slice %parallel_loop3A_63 {offsets = [13], sizes = [1], strides = [1]} : vector<16xi32> to vector<1xi32>
      %parallel_loop3A_299 = vector.extract %parallel_loop3A_298[0] : i32 from vector<1xi32>
      %parallel_loop3A_300 = arith.constant 4 : i32
      %parallel_loop3A_301 = arith.muli %parallel_loop3A_59, %parallel_loop3A_300 : i32
      %parallel_loop3A_302 = arith.constant 3 : i32
      %parallel_loop3A_303 = arith.addi %parallel_loop3A_301, %parallel_loop3A_302 : i32
      %parallel_loop3A_304 = arith.constant 32 : i32
      %parallel_loop3A_305 = tpu.memref_slice %arg6[%parallel_loop3A_303, %parallel_loop3A_304] : memref<128x128xf32, #tpu.memory_space<vmem>> -> memref<1x32xf32, #tpu.memory_space<vmem>>
      %parallel_loop3A_306 = tpu.memref_squeeze %parallel_loop3A_305 : memref<1x32xf32, #tpu.memory_space<vmem>> -> memref<32xf32, #tpu.memory_space<vmem>>
      %parallel_loop3A_307 = arith.constant 0 : i32
      %parallel_loop3A_308 = tpu.memref_slice %arg3[%parallel_loop3A_299, %parallel_loop3A_307] : memref<100000x32xf32, #tpu.memory_space<hbm>> -> memref<1x32xf32, #tpu.memory_space<hbm>>
      %parallel_loop3A_309 = tpu.memref_squeeze %parallel_loop3A_308 : memref<1x32xf32, #tpu.memory_space<hbm>> -> memref<32xf32, #tpu.memory_space<hbm>>
      %parallel_loop3A_310 = arith.constant 32 : i32
      %parallel_loop3A_311 = tpu.memref_slice %arg6[%parallel_loop3A_303, %parallel_loop3A_310] : memref<128x128xf32, #tpu.memory_space<vmem>> -> memref<1x32xf32, #tpu.memory_space<vmem>>
      %parallel_loop3A_312 = tpu.memref_squeeze %parallel_loop3A_311 : memref<1x32xf32, #tpu.memory_space<vmem>> -> memref<32xf32, #tpu.memory_space<vmem>>
      %parallel_loop3A_313 = arith.constant 0 : i32
      %parallel_loop3A_314 = tpu.memref_slice %arg3[%parallel_loop3A_299, %parallel_loop3A_313] : memref<100000x32xf32, #tpu.memory_space<hbm>> -> memref<1x32xf32, #tpu.memory_space<hbm>>
      %parallel_loop3A_315 = tpu.memref_squeeze %parallel_loop3A_314 : memref<1x32xf32, #tpu.memory_space<hbm>> -> memref<32xf32, #tpu.memory_space<hbm>>
      tpu.enqueue_dma source(%parallel_loop3A_315 : memref<32xf32, #tpu.memory_space<hbm>>) target(%parallel_loop3A_312 : memref<32xf32, #tpu.memory_space<vmem>>) target_semaphore(%arg8 : memref<!tpu.dma_semaphore, #tpu.memory_space<semaphore_mem>>)
      %parallel_loop3A_316 = vector.extract_strided_slice %parallel_loop3A_63 {offsets = [14], sizes = [1], strides = [1]} : vector<16xi32> to vector<1xi32>
      %parallel_loop3A_317 = vector.extract %parallel_loop3A_316[0] : i32 from vector<1xi32>
      %parallel_loop3A_318 = arith.constant 4 : i32
      %parallel_loop3A_319 = arith.muli %parallel_loop3A_59, %parallel_loop3A_318 : i32
      %parallel_loop3A_320 = arith.constant 3 : i32
      %parallel_loop3A_321 = arith.addi %parallel_loop3A_319, %parallel_loop3A_320 : i32
      %parallel_loop3A_322 = arith.constant 64 : i32
      %parallel_loop3A_323 = tpu.memref_slice %arg6[%parallel_loop3A_321, %parallel_loop3A_322] : memref<128x128xf32, #tpu.memory_space<vmem>> -> memref<1x32xf32, #tpu.memory_space<vmem>>
      %parallel_loop3A_324 = tpu.memref_squeeze %parallel_loop3A_323 : memref<1x32xf32, #tpu.memory_space<vmem>> -> memref<32xf32, #tpu.memory_space<vmem>>
      %parallel_loop3A_325 = arith.constant 0 : i32
      %parallel_loop3A_326 = tpu.memref_slice %arg3[%parallel_loop3A_317, %parallel_loop3A_325] : memref<100000x32xf32, #tpu.memory_space<hbm>> -> memref<1x32xf32, #tpu.memory_space<hbm>>
      %parallel_loop3A_327 = tpu.memref_squeeze %parallel_loop3A_326 : memref<1x32xf32, #tpu.memory_space<hbm>> -> memref<32xf32, #tpu.memory_space<hbm>>
      %parallel_loop3A_328 = arith.constant 64 : i32
      %parallel_loop3A_329 = tpu.memref_slice %arg6[%parallel_loop3A_321, %parallel_loop3A_328] : memref<128x128xf32, #tpu.memory_space<vmem>> -> memref<1x32xf32, #tpu.memory_space<vmem>>
      %parallel_loop3A_330 = tpu.memref_squeeze %parallel_loop3A_329 : memref<1x32xf32, #tpu.memory_space<vmem>> -> memref<32xf32, #tpu.memory_space<vmem>>
      %parallel_loop3A_331 = arith.constant 0 : i32
      %parallel_loop3A_332 = tpu.memref_slice %arg3[%parallel_loop3A_317, %parallel_loop3A_331] : memref<100000x32xf32, #tpu.memory_space<hbm>> -> memref<1x32xf32, #tpu.memory_space<hbm>>
      %parallel_loop3A_333 = tpu.memref_squeeze %parallel_loop3A_332 : memref<1x32xf32, #tpu.memory_space<hbm>> -> memref<32xf32, #tpu.memory_space<hbm>>
      tpu.enqueue_dma source(%parallel_loop3A_333 : memref<32xf32, #tpu.memory_space<hbm>>) target(%parallel_loop3A_330 : memref<32xf32, #tpu.memory_space<vmem>>) target_semaphore(%arg8 : memref<!tpu.dma_semaphore, #tpu.memory_space<semaphore_mem>>)
      %parallel_loop3A_334 = vector.extract_strided_slice %parallel_loop3A_63 {offsets = [15], sizes = [1], strides = [1]} : vector<16xi32> to vector<1xi32>
      %parallel_loop3A_335 = vector.extract %parallel_loop3A_334[0] : i32 from vector<1xi32>
      %parallel_loop3A_336 = arith.constant 4 : i32
      %parallel_loop3A_337 = arith.muli %parallel_loop3A_59, %parallel_loop3A_336 : i32
      %parallel_loop3A_338 = arith.constant 3 : i32
      %parallel_loop3A_339 = arith.addi %parallel_loop3A_337, %parallel_loop3A_338 : i32
      %parallel_loop3A_340 = arith.constant 96 : i32
      %parallel_loop3A_341 = tpu.memref_slice %arg6[%parallel_loop3A_339, %parallel_loop3A_340] : memref<128x128xf32, #tpu.memory_space<vmem>> -> memref<1x32xf32, #tpu.memory_space<vmem>>
      %parallel_loop3A_342 = tpu.memref_squeeze %parallel_loop3A_341 : memref<1x32xf32, #tpu.memory_space<vmem>> -> memref<32xf32, #tpu.memory_space<vmem>>
      %parallel_loop3A_343 = arith.constant 0 : i32
      %parallel_loop3A_344 = tpu.memref_slice %arg3[%parallel_loop3A_335, %parallel_loop3A_343] : memref<100000x32xf32, #tpu.memory_space<hbm>> -> memref<1x32xf32, #tpu.memory_space<hbm>>
      %parallel_loop3A_345 = tpu.memref_squeeze %parallel_loop3A_344 : memref<1x32xf32, #tpu.memory_space<hbm>> -> memref<32xf32, #tpu.memory_space<hbm>>
      %parallel_loop3A_346 = arith.constant 96 : i32
      %parallel_loop3A_347 = tpu.memref_slice %arg6[%parallel_loop3A_339, %parallel_loop3A_346] : memref<128x128xf32, #tpu.memory_space<vmem>> -> memref<1x32xf32, #tpu.memory_space<vmem>>
      %parallel_loop3A_348 = tpu.memref_squeeze %parallel_loop3A_347 : memref<1x32xf32, #tpu.memory_space<vmem>> -> memref<32xf32, #tpu.memory_space<vmem>>
      %parallel_loop3A_349 = arith.constant 0 : i32
      %parallel_loop3A_350 = tpu.memref_slice %arg3[%parallel_loop3A_335, %parallel_loop3A_349] : memref<100000x32xf32, #tpu.memory_space<hbm>> -> memref<1x32xf32, #tpu.memory_space<hbm>>
      %parallel_loop3A_351 = tpu.memref_squeeze %parallel_loop3A_350 : memref<1x32xf32, #tpu.memory_space<hbm>> -> memref<32xf32, #tpu.memory_space<hbm>>
      tpu.enqueue_dma source(%parallel_loop3A_351 : memref<32xf32, #tpu.memory_space<hbm>>) target(%parallel_loop3A_348 : memref<32xf32, #tpu.memory_space<vmem>>) target_semaphore(%arg8 : memref<!tpu.dma_semaphore, #tpu.memory_space<semaphore_mem>>)
    } {sc.loop_unroll_factor = 2 : i64, sc.parallel_access}
    %dma_wait3A = arith.constant 0 : i32
    %dma_wait3A_5 = arith.constant 0 : i32
    %dma_wait3A_6 = tpu.memref_slice %arg4[%dma_wait3A, %dma_wait3A_5] : memref<4096x128xf32, #tpu.memory_space<hbm>> -> memref<128x128xf32, #tpu.memory_space<hbm>>
    %dma_wait3A_7 = arith.constant 0 : i32
    %dma_wait3A_8 = arith.constant 0 : i32
    %dma_wait3A_9 = tpu.memref_slice %arg4[%dma_wait3A_7, %dma_wait3A_8] : memref<4096x128xf32, #tpu.memory_space<hbm>> -> memref<128x128xf32, #tpu.memory_space<hbm>>
    tpu.wait_dma2 semaphore(%arg8 : memref<!tpu.dma_semaphore, #tpu.memory_space<semaphore_mem>>) src(%dma_wait3A_9 : memref<128x128xf32, #tpu.memory_space<hbm>>) dst(%arg6 : memref<128x128xf32, #tpu.memory_space<vmem>>)
    %iota3A = tpu.iota {dimensions = array<i32: 0>} : vector<16xi32>
    %add3A_10 = arith.constant 0 : i32
    %add3A_11 = vector.broadcast %add3A_10 : i32 to vector<16xi32>
    %add3A_12 = arith.addi %add3A_11, %iota3A : vector<16xi32>
    %shift_right_arithmetic3A = arith.constant 3 : i32
    %shift_right_arithmetic3A_13 = vector.broadcast %shift_right_arithmetic3A : i32 to vector<16xi32>
    %shift_right_arithmetic3A_14 = arith.shrsi %add3A_12, %shift_right_arithmetic3A_13 : vector<16xi32>
    %shift_left3A = arith.constant 5 : i32
    %shift_left3A_15 = vector.broadcast %shift_left3A : i32 to vector<16xi32>
    %shift_left3A_16 = arith.shli %shift_right_arithmetic3A_14, %shift_left3A_15 : vector<16xi32>
    %add3A_17 = arith.constant 0 : i32
    %add3A_18 = vector.broadcast %add3A_17 : i32 to vector<16xi32>
    %add3A_19 = arith.addi %add3A_18, %iota3A : vector<16xi32>
    %and3A = arith.constant 7 : i32
    %and3A_20 = vector.broadcast %and3A : i32 to vector<16xi32>
    %and3A_21 = arith.andi %add3A_19, %and3A_20 : vector<16xi32>
    %add3A_22 = arith.addi %shift_left3A_16, %and3A_21 : vector<16xi32>
    %add3A_23 = arith.constant 16 : i32
    %add3A_24 = vector.broadcast %add3A_23 : i32 to vector<16xi32>
    %add3A_25 = arith.addi %add3A_24, %iota3A : vector<16xi32>
    %shift_right_arithmetic3A_26 = arith.constant 3 : i32
    %shift_right_arithmetic3A_27 = vector.broadcast %shift_right_arithmetic3A_26 : i32 to vector<16xi32>
    %shift_right_arithmetic3A_28 = arith.shrsi %add3A_25, %shift_right_arithmetic3A_27 : vector<16xi32>
    %shift_left3A_29 = arith.constant 5 : i32
    %shift_left3A_30 = vector.broadcast %shift_left3A_29 : i32 to vector<16xi32>
    %shift_left3A_31 = arith.shli %shift_right_arithmetic3A_28, %shift_left3A_30 : vector<16xi32>
    %add3A_32 = arith.constant 16 : i32
    %add3A_33 = vector.broadcast %add3A_32 : i32 to vector<16xi32>
    %add3A_34 = arith.addi %add3A_33, %iota3A : vector<16xi32>
    %and3A_35 = arith.constant 7 : i32
    %and3A_36 = vector.broadcast %and3A_35 : i32 to vector<16xi32>
    %and3A_37 = arith.andi %add3A_34, %and3A_36 : vector<16xi32>
    %add3A_38 = arith.addi %shift_left3A_31, %and3A_37 : vector<16xi32>
    %broadcast_in_dim3A = arith.constant 0 : i32
    %broadcast_in_dim3A_39 = vector.broadcast %broadcast_in_dim3A : i32 to vector<16xi32>
    %parallel_loop3A_40 = arith.constant 0 : i32
    %parallel_loop3A_41 = arith.constant 128 : i32
    %parallel_loop3A_42 = arith.constant 1 : i32
    scf.for %parallel_loop3A_59 = %parallel_loop3A_40 to %parallel_loop3A_41 step %parallel_loop3A_42  : i32 {
      %parallel_loop3A_60 = arith.constant 4 : i32
      %parallel_loop3A_61 = arith.muli %parallel_loop3A_59, %parallel_loop3A_60 : i32
      %parallel_loop3A_62 = arith.constant 7 : i32
      %parallel_loop3A_63 = arith.shrsi %parallel_loop3A_61, %parallel_loop3A_62 : i32
      %parallel_loop3A_64 = arith.constant 3 : i32
      %parallel_loop3A_65 = arith.shli %parallel_loop3A_63, %parallel_loop3A_64 : i32
      %parallel_loop3A_66 = arith.constant 0 : i32
      %parallel_loop3A_67 = arith.addi %parallel_loop3A_61, %parallel_loop3A_66 : i32
      %parallel_loop3A_68 = vector.broadcast %parallel_loop3A_65 : i32 to vector<16xi32>
      %parallel_loop3A_69 = arith.addi %add3A_22, %parallel_loop3A_68 : vector<16xi32>
      %parallel_loop3A_70 = arith.constant 127 : i32
      %parallel_loop3A_71 = arith.andi %parallel_loop3A_67, %parallel_loop3A_70 : i32
      %parallel_loop3A_72 = vector.broadcast %parallel_loop3A_71 : i32 to vector<16xi32>
      %parallel_loop3A_73 = arith.addi %broadcast_in_dim3A_39, %parallel_loop3A_72 : vector<16xi32>
      %parallel_loop3A_74 = arith.index_cast %parallel_loop3A_59 : i32 to index
      %parallel_loop3A_75 = arith.constant 0 : index
      %parallel_loop3A_76 = tpu.vector_load %arg6[%parallel_loop3A_74, %parallel_loop3A_75] {strides = array<i32>} : memref<128x128xf32, #tpu.memory_space<vmem>>, vector<16xf32>,
      tpu.vector_store_idx %arg7[%parallel_loop3A_69, %parallel_loop3A_73], %parallel_loop3A_76 : memref<128x128xf32, #tpu.memory_space<vmem>>[vector<16xi32>, vector<16xi32>], vector<16xf32>,
      %parallel_loop3A_77 = arith.constant 0 : i32
      %parallel_loop3A_78 = arith.addi %parallel_loop3A_61, %parallel_loop3A_77 : i32
      %parallel_loop3A_79 = vector.broadcast %parallel_loop3A_65 : i32 to vector<16xi32>
      %parallel_loop3A_80 = arith.addi %add3A_38, %parallel_loop3A_79 : vector<16xi32>
      %parallel_loop3A_81 = arith.constant 127 : i32
      %parallel_loop3A_82 = arith.andi %parallel_loop3A_78, %parallel_loop3A_81 : i32
      %parallel_loop3A_83 = vector.broadcast %parallel_loop3A_82 : i32 to vector<16xi32>
      %parallel_loop3A_84 = arith.addi %broadcast_in_dim3A_39, %parallel_loop3A_83 : vector<16xi32>
      %parallel_loop3A_85 = arith.index_cast %parallel_loop3A_59 : i32 to index
      %parallel_loop3A_86 = arith.constant 16 : index
      %parallel_loop3A_87 = tpu.vector_load %arg6[%parallel_loop3A_85, %parallel_loop3A_86] {strides = array<i32>} : memref<128x128xf32, #tpu.memory_space<vmem>>, vector<16xf32>,
      tpu.vector_store_idx %arg7[%parallel_loop3A_80, %parallel_loop3A_84], %parallel_loop3A_87 : memref<128x128xf32, #tpu.memory_space<vmem>>[vector<16xi32>, vector<16xi32>], vector<16xf32>,
      %parallel_loop3A_88 = arith.constant 1 : i32
      %parallel_loop3A_89 = arith.addi %parallel_loop3A_61, %parallel_loop3A_88 : i32
      %parallel_loop3A_90 = vector.broadcast %parallel_loop3A_65 : i32 to vector<16xi32>
      %parallel_loop3A_91 = arith.addi %add3A_22, %parallel_loop3A_90 : vector<16xi32>
      %parallel_loop3A_92 = arith.constant 127 : i32
      %parallel_loop3A_93 = arith.andi %parallel_loop3A_89, %parallel_loop3A_92 : i32
      %parallel_loop3A_94 = vector.broadcast %parallel_loop3A_93 : i32 to vector<16xi32>
      %parallel_loop3A_95 = arith.addi %broadcast_in_dim3A_39, %parallel_loop3A_94 : vector<16xi32>
      %parallel_loop3A_96 = arith.index_cast %parallel_loop3A_59 : i32 to index
      %parallel_loop3A_97 = arith.constant 32 : index
      %parallel_loop3A_98 = tpu.vector_load %arg6[%parallel_loop3A_96, %parallel_loop3A_97] {strides = array<i32>} : memref<128x128xf32, #tpu.memory_space<vmem>>, vector<16xf32>,
      tpu.vector_store_idx %arg7[%parallel_loop3A_91, %parallel_loop3A_95], %parallel_loop3A_98 : memref<128x128xf32, #tpu.memory_space<vmem>>[vector<16xi32>, vector<16xi32>], vector<16xf32>,
      %parallel_loop3A_99 = arith.constant 1 : i32
      %parallel_loop3A_100 = arith.addi %parallel_loop3A_61, %parallel_loop3A_99 : i32
      %parallel_loop3A_101 = vector.broadcast %parallel_loop3A_65 : i32 to vector<16xi32>
      %parallel_loop3A_102 = arith.addi %add3A_38, %parallel_loop3A_101 : vector<16xi32>
      %parallel_loop3A_103 = arith.constant 127 : i32
      %parallel_loop3A_104 = arith.andi %parallel_loop3A_100, %parallel_loop3A_103 : i32
      %parallel_loop3A_105 = vector.broadcast %parallel_loop3A_104 : i32 to vector<16xi32>
      %parallel_loop3A_106 = arith.addi %broadcast_in_dim3A_39, %parallel_loop3A_105 : vector<16xi32>
      %parallel_loop3A_107 = arith.index_cast %parallel_loop3A_59 : i32 to index
      %parallel_loop3A_108 = arith.constant 48 : index
      %parallel_loop3A_109 = tpu.vector_load %arg6[%parallel_loop3A_107, %parallel_loop3A_108] {strides = array<i32>} : memref<128x128xf32, #tpu.memory_space<vmem>>, vector<16xf32>,
      tpu.vector_store_idx %arg7[%parallel_loop3A_102, %parallel_loop3A_106], %parallel_loop3A_109 : memref<128x128xf32, #tpu.memory_space<vmem>>[vector<16xi32>, vector<16xi32>], vector<16xf32>,
      %parallel_loop3A_110 = arith.constant 2 : i32
      %parallel_loop3A_111 = arith.addi %parallel_loop3A_61, %parallel_loop3A_110 : i32
      %parallel_loop3A_112 = vector.broadcast %parallel_loop3A_65 : i32 to vector<16xi32>
      %parallel_loop3A_113 = arith.addi %add3A_22, %parallel_loop3A_112 : vector<16xi32>
      %parallel_loop3A_114 = arith.constant 127 : i32
      %parallel_loop3A_115 = arith.andi %parallel_loop3A_111, %parallel_loop3A_114 : i32
      %parallel_loop3A_116 = vector.broadcast %parallel_loop3A_115 : i32 to vector<16xi32>
      %parallel_loop3A_117 = arith.addi %broadcast_in_dim3A_39, %parallel_loop3A_116 : vector<16xi32>
      %parallel_loop3A_118 = arith.index_cast %parallel_loop3A_59 : i32 to index
      %parallel_loop3A_119 = arith.constant 64 : index
      %parallel_loop3A_120 = tpu.vector_load %arg6[%parallel_loop3A_118, %parallel_loop3A_119] {strides = array<i32>} : memref<128x128xf32, #tpu.memory_space<vmem>>, vector<16xf32>,
      tpu.vector_store_idx %arg7[%parallel_loop3A_113, %parallel_loop3A_117], %parallel_loop3A_120 : memref<128x128xf32, #tpu.memory_space<vmem>>[vector<16xi32>, vector<16xi32>], vector<16xf32>,
      %parallel_loop3A_121 = arith.constant 2 : i32
      %parallel_loop3A_122 = arith.addi %parallel_loop3A_61, %parallel_loop3A_121 : i32
      %parallel_loop3A_123 = vector.broadcast %parallel_loop3A_65 : i32 to vector<16xi32>
      %parallel_loop3A_124 = arith.addi %add3A_38, %parallel_loop3A_123 : vector<16xi32>
      %parallel_loop3A_125 = arith.constant 127 : i32
      %parallel_loop3A_126 = arith.andi %parallel_loop3A_122, %parallel_loop3A_125 : i32
      %parallel_loop3A_127 = vector.broadcast %parallel_loop3A_126 : i32 to vector<16xi32>
      %parallel_loop3A_128 = arith.addi %broadcast_in_dim3A_39, %parallel_loop3A_127 : vector<16xi32>
      %parallel_loop3A_129 = arith.index_cast %parallel_loop3A_59 : i32 to index
      %parallel_loop3A_130 = arith.constant 80 : index
      %parallel_loop3A_131 = tpu.vector_load %arg6[%parallel_loop3A_129, %parallel_loop3A_130] {strides = array<i32>} : memref<128x128xf32, #tpu.memory_space<vmem>>, vector<16xf32>,
      tpu.vector_store_idx %arg7[%parallel_loop3A_124, %parallel_loop3A_128], %parallel_loop3A_131 : memref<128x128xf32, #tpu.memory_space<vmem>>[vector<16xi32>, vector<16xi32>], vector<16xf32>,
      %parallel_loop3A_132 = arith.constant 3 : i32
      %parallel_loop3A_133 = arith.addi %parallel_loop3A_61, %parallel_loop3A_132 : i32
      %parallel_loop3A_134 = vector.broadcast %parallel_loop3A_65 : i32 to vector<16xi32>
      %parallel_loop3A_135 = arith.addi %add3A_22, %parallel_loop3A_134 : vector<16xi32>
      %parallel_loop3A_136 = arith.constant 127 : i32
      %parallel_loop3A_137 = arith.andi %parallel_loop3A_133, %parallel_loop3A_136 : i32
      %parallel_loop3A_138 = vector.broadcast %parallel_loop3A_137 : i32 to vector<16xi32>
      %parallel_loop3A_139 = arith.addi %broadcast_in_dim3A_39, %parallel_loop3A_138 : vector<16xi32>
      %parallel_loop3A_140 = arith.index_cast %parallel_loop3A_59 : i32 to index
      %parallel_loop3A_141 = arith.constant 96 : index
      %parallel_loop3A_142 = tpu.vector_load %arg6[%parallel_loop3A_140, %parallel_loop3A_141] {strides = array<i32>} : memref<128x128xf32, #tpu.memory_space<vmem>>, vector<16xf32>,
      tpu.vector_store_idx %arg7[%parallel_loop3A_135, %parallel_loop3A_139], %parallel_loop3A_142 : memref<128x128xf32, #tpu.memory_space<vmem>>[vector<16xi32>, vector<16xi32>], vector<16xf32>,
      %parallel_loop3A_143 = arith.constant 3 : i32
      %parallel_loop3A_144 = arith.addi %parallel_loop3A_61, %parallel_loop3A_143 : i32
      %parallel_loop3A_145 = vector.broadcast %parallel_loop3A_65 : i32 to vector<16xi32>
      %parallel_loop3A_146 = arith.addi %add3A_38, %parallel_loop3A_145 : vector<16xi32>
      %parallel_loop3A_147 = arith.constant 127 : i32
      %parallel_loop3A_148 = arith.andi %parallel_loop3A_144, %parallel_loop3A_147 : i32
      %parallel_loop3A_149 = vector.broadcast %parallel_loop3A_148 : i32 to vector<16xi32>
      %parallel_loop3A_150 = arith.addi %broadcast_in_dim3A_39, %parallel_loop3A_149 : vector<16xi32>
      %parallel_loop3A_151 = arith.index_cast %parallel_loop3A_59 : i32 to index
      %parallel_loop3A_152 = arith.constant 112 : index
      %parallel_loop3A_153 = tpu.vector_load %arg6[%parallel_loop3A_151, %parallel_loop3A_152] {strides = array<i32>} : memref<128x128xf32, #tpu.memory_space<vmem>>, vector<16xf32>,
      tpu.vector_store_idx %arg7[%parallel_loop3A_146, %parallel_loop3A_150], %parallel_loop3A_153 : memref<128x128xf32, #tpu.memory_space<vmem>>[vector<16xi32>, vector<16xi32>], vector<16xf32>,
    } {sc.loop_unroll_factor = 4 : i64, sc.parallel_access}
    %mul3A_43 = arith.constant 32 : i32
    %mul3A_44 = arith.muli %add3A, %mul3A_43 : i32
    %add3A_45 = arith.constant 0 : i32
    %add3A_46 = arith.addi %add3A_45, %mul3A_44 : i32
    "tpu.region"() ({
      %run_scoped3A = tpu.sem_alloc : memref<!tpu.dma_semaphore, #tpu.memory_space<semaphore_mem>>
      %dma_start3A = arith.constant 0 : i32
      %dma_start3A_59 = arith.constant 0 : i32
      %dma_start3A_60 = tpu.memref_slice %arg7[%dma_start3A, %dma_start3A_59] : memref<128x128xf32, #tpu.memory_space<vmem>> -> memref<32x128xf32, #tpu.memory_space<vmem>>
      %dma_start3A_61 = arith.constant 0 : i32
      %dma_start3A_62 = tpu.memref_slice %arg4[%add3A_46, %dma_start3A_61] : memref<4096x128xf32, #tpu.memory_space<hbm>> -> memref<32x128xf32, #tpu.memory_space<hbm>>
      %dma_start3A_63 = arith.constant 0 : i32
      %dma_start3A_64 = tpu.memref_slice %arg4[%add3A_46, %dma_start3A_63] : memref<4096x128xf32, #tpu.memory_space<hbm>> -> memref<32x128xf32, #tpu.memory_space<hbm>>
      %dma_start3A_65 = arith.constant 0 : i32
      %dma_start3A_66 = arith.constant 0 : i32
      %dma_start3A_67 = tpu.memref_slice %arg7[%dma_start3A_65, %dma_start3A_66] : memref<128x128xf32, #tpu.memory_space<vmem>> -> memref<32x128xf32, #tpu.memory_space<vmem>>
      tpu.enqueue_dma source(%dma_start3A_67 : memref<32x128xf32, #tpu.memory_space<vmem>>) target(%dma_start3A_64 : memref<32x128xf32, #tpu.memory_space<hbm>>) target_semaphore(%run_scoped3A : memref<!tpu.dma_semaphore, #tpu.memory_space<semaphore_mem>>)
      %dma_wait3A_68 = arith.constant 0 : i32
      %dma_wait3A_69 = arith.constant 0 : i32
      %dma_wait3A_70 = tpu.memref_slice %arg7[%dma_wait3A_68, %dma_wait3A_69] : memref<128x128xf32, #tpu.memory_space<vmem>> -> memref<32x128xf32, #tpu.memory_space<vmem>>
      %dma_wait3A_71 = arith.constant 0 : i32
      %dma_wait3A_72 = tpu.memref_slice %arg4[%add3A_46, %dma_wait3A_71] : memref<4096x128xf32, #tpu.memory_space<hbm>> -> memref<32x128xf32, #tpu.memory_space<hbm>>
      %dma_wait3A_73 = arith.constant 0 : i32
      %dma_wait3A_74 = tpu.memref_slice %arg4[%add3A_46, %dma_wait3A_73] : memref<4096x128xf32, #tpu.memory_space<hbm>> -> memref<32x128xf32, #tpu.memory_space<hbm>>
      %dma_wait3A_75 = arith.constant 0 : i32
      %dma_wait3A_76 = arith.constant 0 : i32
      %dma_wait3A_77 = tpu.memref_slice %arg7[%dma_wait3A_75, %dma_wait3A_76] : memref<128x128xf32, #tpu.memory_space<vmem>> -> memref<32x128xf32, #tpu.memory_space<vmem>>
      tpu.wait_dma2 semaphore(%run_scoped3A : memref<!tpu.dma_semaphore, #tpu.memory_space<semaphore_mem>>) src(%dma_wait3A_77 : memref<32x128xf32, #tpu.memory_space<vmem>>) dst(%dma_wait3A_74 : memref<32x128xf32, #tpu.memory_space<hbm>>)
      tpu.yield
    }) : () -> ()
    %mul3A_47 = arith.constant 32 : i32
    %mul3A_48 = arith.muli %add3A, %mul3A_47 : i32
    %add3A_49 = arith.constant 1024 : i32
    %add3A_50 = arith.addi %add3A_49, %mul3A_48 : i32
    "tpu.region"() ({
      %run_scoped3A = tpu.sem_alloc : memref<!tpu.dma_semaphore, #tpu.memory_space<semaphore_mem>>
      %dma_start3A = arith.constant 32 : i32
      %dma_start3A_59 = arith.constant 0 : i32
      %dma_start3A_60 = tpu.memref_slice %arg7[%dma_start3A, %dma_start3A_59] : memref<128x128xf32, #tpu.memory_space<vmem>> -> memref<32x128xf32, #tpu.memory_space<vmem>>
      %dma_start3A_61 = arith.constant 0 : i32
      %dma_start3A_62 = tpu.memref_slice %arg4[%add3A_50, %dma_start3A_61] : memref<4096x128xf32, #tpu.memory_space<hbm>> -> memref<32x128xf32, #tpu.memory_space<hbm>>
      %dma_start3A_63 = arith.constant 0 : i32
      %dma_start3A_64 = tpu.memref_slice %arg4[%add3A_50, %dma_start3A_63] : memref<4096x128xf32, #tpu.memory_space<hbm>> -> memref<32x128xf32, #tpu.memory_space<hbm>>
      %dma_start3A_65 = arith.constant 32 : i32
      %dma_start3A_66 = arith.constant 0 : i32
      %dma_start3A_67 = tpu.memref_slice %arg7[%dma_start3A_65, %dma_start3A_66] : memref<128x128xf32, #tpu.memory_space<vmem>> -> memref<32x128xf32, #tpu.memory_space<vmem>>
      tpu.enqueue_dma source(%dma_start3A_67 : memref<32x128xf32, #tpu.memory_space<vmem>>) target(%dma_start3A_64 : memref<32x128xf32, #tpu.memory_space<hbm>>) target_semaphore(%run_scoped3A : memref<!tpu.dma_semaphore, #tpu.memory_space<semaphore_mem>>)
      %dma_wait3A_68 = arith.constant 32 : i32
      %dma_wait3A_69 = arith.constant 0 : i32
      %dma_wait3A_70 = tpu.memref_slice %arg7[%dma_wait3A_68, %dma_wait3A_69] : memref<128x128xf32, #tpu.memory_space<vmem>> -> memref<32x128xf32, #tpu.memory_space<vmem>>
      %dma_wait3A_71 = arith.constant 0 : i32
      %dma_wait3A_72 = tpu.memref_slice %arg4[%add3A_50, %dma_wait3A_71] : memref<4096x128xf32, #tpu.memory_space<hbm>> -> memref<32x128xf32, #tpu.memory_space<hbm>>
      %dma_wait3A_73 = arith.constant 0 : i32
      %dma_wait3A_74 = tpu.memref_slice %arg4[%add3A_50, %dma_wait3A_73] : memref<4096x128xf32, #tpu.memory_space<hbm>> -> memref<32x128xf32, #tpu.memory_space<hbm>>
      %dma_wait3A_75 = arith.constant 32 : i32
      %dma_wait3A_76 = arith.constant 0 : i32
      %dma_wait3A_77 = tpu.memref_slice %arg7[%dma_wait3A_75, %dma_wait3A_76] : memref<128x128xf32, #tpu.memory_space<vmem>> -> memref<32x128xf32, #tpu.memory_space<vmem>>
      tpu.wait_dma2 semaphore(%run_scoped3A : memref<!tpu.dma_semaphore, #tpu.memory_space<semaphore_mem>>) src(%dma_wait3A_77 : memref<32x128xf32, #tpu.memory_space<vmem>>) dst(%dma_wait3A_74 : memref<32x128xf32, #tpu.memory_space<hbm>>)
      tpu.yield
    }) : () -> ()
    %mul3A_51 = arith.constant 32 : i32
    %mul3A_52 = arith.muli %add3A, %mul3A_51 : i32
    %add3A_53 = arith.constant 2048 : i32
    %add3A_54 = arith.addi %add3A_53, %mul3A_52 : i32
    "tpu.region"() ({
      %run_scoped3A = tpu.sem_alloc : memref<!tpu.dma_semaphore, #tpu.memory_space<semaphore_mem>>
      %dma_start3A = arith.constant 64 : i32
      %dma_start3A_59 = arith.constant 0 : i32
      %dma_start3A_60 = tpu.memref_slice %arg7[%dma_start3A, %dma_start3A_59] : memref<128x128xf32, #tpu.memory_space<vmem>> -> memref<32x128xf32, #tpu.memory_space<vmem>>
      %dma_start3A_61 = arith.constant 0 : i32
      %dma_start3A_62 = tpu.memref_slice %arg4[%add3A_54, %dma_start3A_61] : memref<4096x128xf32, #tpu.memory_space<hbm>> -> memref<32x128xf32, #tpu.memory_space<hbm>>
      %dma_start3A_63 = arith.constant 0 : i32
      %dma_start3A_64 = tpu.memref_slice %arg4[%add3A_54, %dma_start3A_63] : memref<4096x128xf32, #tpu.memory_space<hbm>> -> memref<32x128xf32, #tpu.memory_space<hbm>>
      %dma_start3A_65 = arith.constant 64 : i32
      %dma_start3A_66 = arith.constant 0 : i32
      %dma_start3A_67 = tpu.memref_slice %arg7[%dma_start3A_65, %dma_start3A_66] : memref<128x128xf32, #tpu.memory_space<vmem>> -> memref<32x128xf32, #tpu.memory_space<vmem>>
      tpu.enqueue_dma source(%dma_start3A_67 : memref<32x128xf32, #tpu.memory_space<vmem>>) target(%dma_start3A_64 : memref<32x128xf32, #tpu.memory_space<hbm>>) target_semaphore(%run_scoped3A : memref<!tpu.dma_semaphore, #tpu.memory_space<semaphore_mem>>)
      %dma_wait3A_68 = arith.constant 64 : i32
      %dma_wait3A_69 = arith.constant 0 : i32
      %dma_wait3A_70 = tpu.memref_slice %arg7[%dma_wait3A_68, %dma_wait3A_69] : memref<128x128xf32, #tpu.memory_space<vmem>> -> memref<32x128xf32, #tpu.memory_space<vmem>>
      %dma_wait3A_71 = arith.constant 0 : i32
      %dma_wait3A_72 = tpu.memref_slice %arg4[%add3A_54, %dma_wait3A_71] : memref<4096x128xf32, #tpu.memory_space<hbm>> -> memref<32x128xf32, #tpu.memory_space<hbm>>
      %dma_wait3A_73 = arith.constant 0 : i32
      %dma_wait3A_74 = tpu.memref_slice %arg4[%add3A_54, %dma_wait3A_73] : memref<4096x128xf32, #tpu.memory_space<hbm>> -> memref<32x128xf32, #tpu.memory_space<hbm>>
      %dma_wait3A_75 = arith.constant 64 : i32
      %dma_wait3A_76 = arith.constant 0 : i32
      %dma_wait3A_77 = tpu.memref_slice %arg7[%dma_wait3A_75, %dma_wait3A_76] : memref<128x128xf32, #tpu.memory_space<vmem>> -> memref<32x128xf32, #tpu.memory_space<vmem>>
      tpu.wait_dma2 semaphore(%run_scoped3A : memref<!tpu.dma_semaphore, #tpu.memory_space<semaphore_mem>>) src(%dma_wait3A_77 : memref<32x128xf32, #tpu.memory_space<vmem>>) dst(%dma_wait3A_74 : memref<32x128xf32, #tpu.memory_space<hbm>>)
      tpu.yield
    }) : () -> ()
    %mul3A_55 = arith.constant 32 : i32
    %mul3A_56 = arith.muli %add3A, %mul3A_55 : i32
    %add3A_57 = arith.constant 3072 : i32
    %add3A_58 = arith.addi %add3A_57, %mul3A_56 : i32
    "tpu.region"() ({
      %run_scoped3A = tpu.sem_alloc : memref<!tpu.dma_semaphore, #tpu.memory_space<semaphore_mem>>
      %dma_start3A = arith.constant 96 : i32
      %dma_start3A_59 = arith.constant 0 : i32
      %dma_start3A_60 = tpu.memref_slice %arg7[%dma_start3A, %dma_start3A_59] : memref<128x128xf32, #tpu.memory_space<vmem>> -> memref<32x128xf32, #tpu.memory_space<vmem>>
      %dma_start3A_61 = arith.constant 0 : i32
      %dma_start3A_62 = tpu.memref_slice %arg4[%add3A_58, %dma_start3A_61] : memref<4096x128xf32, #tpu.memory_space<hbm>> -> memref<32x128xf32, #tpu.memory_space<hbm>>
      %dma_start3A_63 = arith.constant 0 : i32
      %dma_start3A_64 = tpu.memref_slice %arg4[%add3A_58, %dma_start3A_63] : memref<4096x128xf32, #tpu.memory_space<hbm>> -> memref<32x128xf32, #tpu.memory_space<hbm>>
      %dma_start3A_65 = arith.constant 96 : i32
      %dma_start3A_66 = arith.constant 0 : i32
      %dma_start3A_67 = tpu.memref_slice %arg7[%dma_start3A_65, %dma_start3A_66] : memref<128x128xf32, #tpu.memory_space<vmem>> -> memref<32x128xf32, #tpu.memory_space<vmem>>
      tpu.enqueue_dma source(%dma_start3A_67 : memref<32x128xf32, #tpu.memory_space<vmem>>) target(%dma_start3A_64 : memref<32x128xf32, #tpu.memory_space<hbm>>) target_semaphore(%run_scoped3A : memref<!tpu.dma_semaphore, #tpu.memory_space<semaphore_mem>>)
      %dma_wait3A_68 = arith.constant 96 : i32
      %dma_wait3A_69 = arith.constant 0 : i32
      %dma_wait3A_70 = tpu.memref_slice %arg7[%dma_wait3A_68, %dma_wait3A_69] : memref<128x128xf32, #tpu.memory_space<vmem>> -> memref<32x128xf32, #tpu.memory_space<vmem>>
      %dma_wait3A_71 = arith.constant 0 : i32
      %dma_wait3A_72 = tpu.memref_slice %arg4[%add3A_58, %dma_wait3A_71] : memref<4096x128xf32, #tpu.memory_space<hbm>> -> memref<32x128xf32, #tpu.memory_space<hbm>>
      %dma_wait3A_73 = arith.constant 0 : i32
      %dma_wait3A_74 = tpu.memref_slice %arg4[%add3A_58, %dma_wait3A_73] : memref<4096x128xf32, #tpu.memory_space<hbm>> -> memref<32x128xf32, #tpu.memory_space<hbm>>
      %dma_wait3A_75 = arith.constant 96 : i32
      %dma_wait3A_76 = arith.constant 0 : i32
      %dma_wait3A_77 = tpu.memref_slice %arg7[%dma_wait3A_75, %dma_wait3A_76] : memref<128x128xf32, #tpu.memory_space<vmem>> -> memref<32x128xf32, #tpu.memory_space<vmem>>
      tpu.wait_dma2 semaphore(%run_scoped3A : memref<!tpu.dma_semaphore, #tpu.memory_space<semaphore_mem>>) src(%dma_wait3A_77 : memref<32x128xf32, #tpu.memory_space<vmem>>) dst(%dma_wait3A_74 : memref<32x128xf32, #tpu.memory_space<hbm>>)
      tpu.yield
    }) : () -> ()
    return
  }
}

</mosaic_0001>

<sc_bundles>
// kernel: kernel.3.cloned.1.call-start
scs
__scs_entry_jumppad:
0x0: {  	(pc) =	sbr.rel $0x88, $3  }
0x1: {  	(tag) =	ssettag $0x0;
	lr =	simm.s32 $0x1  }
0x2: {  	[smem:$0x3F9F] =	sst lr;
	_ =	strace $0xD0000000  }
0x3: {  	_ = 	snop  }
0x4: {  	_ = 	snop  }
0x5: {  	_ = 	snop  }
0x6: {  	_ = 	snop  }
0x7: {  	_ = 	snop  }
__scs_overlays_trampoline_lowered:
0x8: {  	[smem:$0x3FAE] =	sst s0  }
0x9: {  	[smem:$0x3FAF] =	sst s1  }
0xa: {  	[smem:$0x3FB0] =	sst s2  }
0xb: {  	[smem:$0x3FB1] =	sst s3  }
0xc: {  	[smem:$0x3FB2] =	sst s4  }
0xd: {  	[smem:$0x3FB3] =	sst s5  }
0xe: {  	[smem:$0x3FB4] =	sst s6  }
0xf: {  	[smem:$0x3FB5] =	sst s7  }
0x10: {  	[smem:$0x3FB6] =	sst s8  }
0x11: {  	[smem:$0x3FB7] =	sst s9;
	s0 =	simm.s32 @!p0 $0x0  }
0x12: {  	s1 =	sld [smem:$0x3F9D];
	s0 =	simm.s32 @p0 $0x1  }
0x13: {  	[smem:$0x3FB8] =	sst s0;
	s0 =	simm.s32 @!p1 $0x0  }
0x14: {  	s2 =	sld [smem:$0x3F9C];
	s0 =	simm.s32 @p1 $0x1  }
0x15: {  	[smem:$0x3FB9] =	sst s0;
	s0 =	simm.s32 @!p2 $0x0  }
0x16: {  	s3 =	sld [smem:$0x3FDB];
	s0 =	simm.s32 @p2 $0x1  }
0x17: {  	s4 =	simm.s32 $0x1BF5;
	[smem:$0x3FBB] =	sst s0  }
0x18: {  	s0 =	sld [smem:$0x3F9E];
	_ =	swait.ge [sflag:s4], $0x0  }
0x19: {  	s7 =	sld [smem:$0x3F9F]  }
0x1a: {  	s8 =	sadd.s32 $0xFFFFE003, lr  }
0x1b: {  	s9 =	sadd.s32 $0xFFFFFEF7, lr;
	s5 =	simm.s32 $0xFFFFFFFF;
	p2 =	slt.u32 s8, $0xFFFFF086  }
0x1c: {  	p1 =	slt.u32 s9, $0xF7A;
	s5 =	simm.s32 @!p2 $0x0  }
0x1d: {  	s5 =	simm.s32 @p1 $0x1;
	p0 =	seq.s32 s7, s2  }
0x1e: {  	s7 =	smul.u32 @!p0 $0xF7A, s2;
	p2 =	seq.s32 @!p0 s5, $0x0  }
0x1f: {  	s9 =	smul.u32 $0xF7A, s1;
	s8 =	simm.s32 @!p0 $0x1BF5;
	p2 =	por !p2, p0  }
0x20: {  	[sflag:s8] =	ssyncset.s32 @!p0 $0xFFFFF086;
	s6 =	sadd.s32 @!p0 s3, s7;
	s7 =	simm.s32 @!p0 $0x108  }
0x21: {  	s3 =	sadd.s32 s3, s9;
	s6 =	sadd.s32 @!p0 $0x88, s6;
	s7 =	simm.s32 @p2 $0x1082  }
0x22: {  	[simem:s7], [sflag:s8] =	dma.local @!p0 [hbm:s6], $0xF7A  }
0x23: {  	s9 =	sor.u32 $0xD0000000, s2;
	s6 =	simm.s32 $0x108;
	_ =	swait.ge @!p0 [sflag:s8], $0x0  }
0x24: {  	s3 =	sadd.s32 $0x88, s3;
	s6 =	simm.s32 @!p1 $0x1082;
	[sflag:s4] =	ssyncset.s32 $0xFFFFF086  }
0x25: {  	[simem:s6], [sflag:s4] =	dma.local [hbm:s3], $0xF7A  }
0x26: {  	[smem:$0x3F9F] =	sst s1;
	(tag) =	ssettag s2;
	_ =	strace s9  }
0x27: {  	s1 =	sld [smem:$0x3FAF]  }
0x28: {  	s2 =	sld [smem:$0x3FB0]  }
0x29: {  	s4 =	sld [smem:$0x3FB2]  }
0x2a: {  	p0 =	seq.s32 s5, $0x0;
	s5 =	sld [smem:$0x3FB3]  }
0x2b: {  	s6 =	sld [smem:$0x3FB4]  }
0x2c: {  	s7 =	sld [smem:$0x3FB5]  }
0x2d: {  	s3 =	simm.s32 $0x108;
	s8 =	sld [smem:$0x3FB6]  }
0x2e: {  	s3 =	simm.s32 @!p0 $0x1082;
	s9 =	sld [smem:$0x3FB7]  }
0x2f: {  	lr =	sadd.s32 s0, s3;
	s0 =	sld [smem:$0x3FAE]  }
0x30: {  	s3 =	sld [smem:$0x3FB1]  }
0x31: {  	[smem:$0x3FBA] =	sst s10  }
0x32: {  	s10 =	sld [smem:$0x3FB8];
	_ =	sdelay $0x3  }
0x33: {  	p0 =	seq.s32 s10, $0x1;
	s10 =	sld [smem:$0x3FBA];
	_ =	sdelay $0x3  }
0x34: {  	[smem:$0x3FBA] =	sst s10  }
0x35: {  	s10 =	sld [smem:$0x3FB9];
	_ =	sdelay $0x3  }
0x36: {  	p1 =	seq.s32 s10, $0x1;
	s10 =	sld [smem:$0x3FBA];
	_ =	sdelay $0x3  }
0x37: {  	[smem:$0x3FBA] =	sst s10  }
0x38: {  	s10 =	sld [smem:$0x3FBB]  }
0x39: {  	_ = 	snop;
	(pc) =	sbr.ind lr, $3  }
0x3a: {  	_ = 	snop  }
0x3b: {  	_ = 	snop  }
0x3c: {  	p2 =	seq.s32 s10, $0x1;
	s10 =	sld [smem:$0x3FBA]  }
0x3d: {  	_ =	shalt  }
0x3e: {  	_ =	shalt  }
0x3f: {  	_ =	shalt  }
0x40: {  	_ =	shalt  }
0x41: {  	_ =	shalt  }
0x42: {  	_ =	shalt  }
0x43: {  	_ =	shalt  }
0x44: {  	_ =	shalt  }
0x45: {  	_ =	shalt  }
0x46: {  	_ =	shalt  }
0x47: {  	_ =	shalt  }
0x48: {  	_ =	shalt  }
0x49: {  	_ =	shalt  }
0x4a: {  	_ =	shalt  }
0x4b: {  	_ =	shalt  }
0x4c: {  	_ =	shalt  }
0x4d: {  	_ =	shalt  }
0x4e: {  	_ =	shalt  }
0x4f: {  	_ =	shalt  }
0x50: {  	_ =	shalt  }
0x51: {  	_ =	shalt  }
0x52: {  	_ =	shalt  }
0x53: {  	_ =	shalt  }
0x54: {  	_ =	shalt  }
0x55: {  	_ =	shalt  }
0x56: {  	_ =	shalt  }
0x57: {  	_ =	shalt  }
0x58: {  	_ =	shalt  }
0x59: {  	_ =	shalt  }
0x5a: {  	_ =	shalt  }
0x5b: {  	_ =	shalt  }
0x5c: {  	_ =	shalt  }
0x5d: {  	_ =	shalt  }
0x5e: {  	_ =	shalt  }
0x5f: {  	_ =	shalt  }
0x60: {  	_ =	shalt  }
0x61: {  	_ =	shalt  }
0x62: {  	_ =	shalt  }
0x63: {  	_ =	shalt  }
0x64: {  	_ =	shalt  }
0x65: {  	_ =	shalt  }
0x66: {  	_ =	shalt  }
0x67: {  	_ =	shalt  }
0x68: {  	_ =	shalt  }
0x69: {  	_ =	shalt  }
0x6a: {  	_ =	shalt  }
0x6b: {  	_ =	shalt  }
0x6c: {  	_ =	shalt  }
0x6d: {  	_ =	shalt  }
0x6e: {  	_ =	shalt  }
0x6f: {  	_ =	shalt  }
0x70: {  	_ =	shalt  }
0x71: {  	_ =	shalt  }
0x72: {  	_ =	shalt  }
0x73: {  	_ =	shalt  }
0x74: {  	_ =	shalt  }
0x75: {  	_ =	shalt  }
0x76: {  	_ =	shalt  }
0x77: {  	_ =	shalt  }
0x78: {  	_ =	shalt  }
0x79: {  	_ =	shalt  }
0x7a: {  	_ =	shalt  }
0x7b: {  	_ =	shalt  }
0x7c: {  	_ =	shalt  }
0x7d: {  	_ =	shalt  }
0x7e: {  	_ =	shalt  }
0x7f: {  	_ =	shalt  }
0x80: {  	_ =	shalt  }
0x81: {  	_ =	shalt  }
0x82: {  	_ =	shalt  }
0x83: {  	_ =	shalt  }
0x84: {  	_ =	shalt  }
0x85: {  	_ =	shalt  }
0x86: {  	_ =	shalt  }
0x87: {  	_ =	shalt  }
.Lfunc_end0:
.L_simem_size_0:
called_computation_lowered:
.L_overlay_start_0:
0x88: {  	s2 =	sld [smem:$0x3FD9]  }
0x89: {  	s3 =	sld [smem:$0x3FFE];
	_ =	sdelay $0x1  }
0x8a: {  	s1 =	srdreg.scid  }
0x8b: {  	s0 =	sand.u32 $0x1, s1  }
0x8c: {  	s17 =	sshll.u32 s0, $0xA;
	s2 =	sadd.s32 s3, s2  }
0x8d: {  	s2 =	sadd.s32 s2, s17  }
0x8e: {  	[smem:$0x3FC6] =	sst s2  }
0x8f: {  	_ = 	snop  }
0x90: {  	s2 =	sld [smem:$0x3FC9]  }
0x91: {  	s18 =	sld [smem:$0x3FD0];
	(tm) =	ssettm $0x1  }
0x92: {  	s4 =	sld [smem:$0x3FFB];
	_ =	sdelay $0x3  }
0x93: {  	_ =	strace s4  }
0x94: {  	s4 =	sld [smem:$0x3FFC];
	_ =	sdelay $0x3  }
0x95: {  	_ =	strace s4  }
0x96: {  	s4 =	sld [smem:$0x3FFD];
	_ =	sdelay $0x3  }
0x97: {  	_ =	strace s4  }
0x98: {  	_ =	strace $0x8FFFFFFF  }
0x99: {  	s19 =	sld [smem:$0x3FDB];
	_ =	sdelay $0x1  }
0x9a: {  	s5 =	simm.s32 $_scs_section_size  }
0x9b: {  	s6 =	simm.s32 $_size__tile_overlayer_lowered;
	s7 =	simm.s32 $_tile_overlayer_lowered  }
0x9c: {  	s22 =	simm.s32 $0x1BFF;
	s21 =	sshll.u32 s7, $0x1;
	s4 =	sadd.s32 s5, s19  }
0x9d: {  	s8 =	simm.s32 $0x0;
	s20 =	sshll.u32 s6, $0x1;
	s6 =	sadd.s32 s21, s4  }
0x9e: {  	[timem:s8], [sflag:s22] =	dma.local [hbm:s6], s20  }
0x9f: {  	_ =	swait.ge [sflag:s22], s20  }
0xa0: {  	s5 =	ssub.s32 $0x0, s20;
	[sflag:s22] =	ssyncset.done $0x0  }
0xa1: {  	[sflag:s22] =	ssyncadd.s32 s5;
	_ =	sdelay $0x1  }
0xa2: {  	s23 =	simm.s32 $0x1B8B  }
0xa3: {  	_ =	swait.ge [sflag:s23], $0x1  }
0xa4: {  	[sflag:s23] =	ssyncset.done $0x0  }
0xa5: {  	s25 =	simm.s32 $0x1B8E;
	s24 =	sld [smem:$0x3FFE];
	[sflag:s23] =	ssyncadd.s32 $0xFFFFFFFF  }
0xa6: {  	s26 =	simm.s32 $execute0_lowered;
	[smem:$0x3FD2] =	sst s25  }
0xa7: {  	s6 =	sshll.u32 s26, $0x1;
	_ =	strace $0x80000046;
	[dreg:$0x1] =	wrdreg $0xFFFFFFFF  }
0xa8: {  	s28 =	simm.s32 $_size_execute0_lowered;
	s4 =	sadd.s32 s4, s6;
	[dreg:$0x0] =	wrdreg $0x0  }
0xa9: {  	s6 =	sshll.u32 s28, $0x1;
	[dreg:$0x2] =	wrdreg s4  }
0xaa: {  	[dreg:$0x3] =	wrdreg s6  }
0xab: {  	[dreg:$0x4] =	wrdreg $0xC0  }
0xac: {  	_ =	task [dreg:s8], $0x5FFFF  }
0xad: {  	[dreg:$0x1] =	wrdreg $0xFFFFFFFF  }
0xae: {  	[dreg:$0x0] =	wrdreg $0x60  }
0xaf: {  	[dreg:$0x2] =	wrdreg s2  }
0xb0: {  	[dreg:$0x3] =	wrdreg s24  }
0xb1: {  	[dreg:$0x4] =	wrdreg s18  }
0xb2: {  	[dreg:$0x5] =	wrdreg $0x9  }
0xb3: {  	_ =	task.clear_ibuf [dreg:s8], $0x6FFFF;
	_ =	strace $0x90000046  }
0xb4: {  	s29 =	simm.s32 $0x9;
	_ =	strace $0x80000048  }
0xb5: {  	_ =	swait.ge [sflag:s29], $0x1  }
0xb6: {  	[sflag:s29] =	ssyncadd.s32 $0xFFFFFFFF  }
0xb7: {  	_ =	strace $0x90000048  }
0xb8: {  	_ =	sfence  }
0xb9: {  	s30 =	sld [smem:$0x0];
	_ =	sdelay $0x2  }
0xba: {  	s31 =	sshll.u32 s1, $0xD;
	s1 =	sshrl.u32 s1, $0x2  }
0xbb: {  	s3 =	sand.u32 $0x4000, s31;
	s1 =	sadd.s32 s1, s30  }
0xbc: {  	s0 =	sor.u32 s3, s0;
	s1 =	sshll.u32 s1, $0x11  }
0xbd: {  	s0 =	sor.u32 s1, s0  }
0xbe: {  	s0 =	sadd.s32 $0x8F2B, s0  }
0xbf: {  	[sflag:s0] =	ssyncadd.remote.s32 $0x1  }
0xc0: {  	_ =	sfence.sel $0xFFFF  }
0xc1: {  	[dreg:$0x0] =	wrdreg $0xFFFFFFFF;
	(pc) =	sbr.abs _section_cstart, $3  }
0xc2: {  	[dreg:$0x1] =	wrdreg $0xFFFFFFFF  }
0xc3: {  	_ =	task.clear_ibuf [dreg:s8], $0x2FFFF;
	_ =	strace $0x9FFFFFFF  }
0xc4: {  	(tm) =	ssettm $0x7FFFFFFF  }
0xc5: {  	_ =	shalt  }
tec
execute0_lowered:
.L_overlay_start_1:
0x0: {  	(tag) =	ssettag $0x1  }
0x1: {  	v0 =	vimm.s32 $0x3380;
	vm0 =	vcmask $0x300;
	v1 =	vimm.s32 $0x1380  }
0x2: {  	vm1 =	vcmask $0x704;
	v0 =	vsel vm0, $0x2000, v0;
	v1 =	vsel vm0, $0x0, v1  }
0x3: {  	vm15 =	vcmask $0xB08;
	v0 =	vsel vm1, $0x2080, v0;
	v1 =	vsel vm1, $0x80, v1  }
0x4: {  	s5 =	rddreg [dreg:$0x0];
	vm4 =	vcmask $0xF0C;
	v0 =	vsel vm15, $0x2100, v0;
	v1 =	vsel vm15, $0x100, v1  }
0x5: {  	s3 =	rddreg [dreg:$0x1];
	vm5 =	vcmask $0x1310;
	v0 =	vsel vm4, $0x2180, v0;
	v1 =	vsel vm4, $0x180, v1  }
0x6: {  	s4 =	rddreg [dreg:$0x2];
	vm6 =	vcmask $0x1714;
	v0 =	vsel vm5, $0x2200, v0;
	v1 =	vsel vm5, $0x200, v1  }
0x7: {  	s2 =	simm.s32 $0x0;
	s6 =	srdreg.scid;
	s0 =	stileid.u32;
	vm7 =	vcmask $0x1B18;
	v0 =	vsel vm6, $0x2280, v0;
	v1 =	vsel vm6, $0x280, v1  }
0x8: {  	vm8 =	vcmask $0x1F1C;
	s10 =	simm.s32 $0x2;
	s11 =	simm.s32 $0x80;
	s12 =	simm.s32 $0x400;
	v0 =	vsel vm7, $0x2300, v0;
	v1 =	vsel vm7, $0x300, v1  }
0x9: {  	vm9 =	vcmask $0x2320;
	s13 =	simm.s32 $0x1;
	s6 =	sand.u32 $0x1, s6;
	s7 =	sshll.u32 s0, $0x1;
	v0 =	vsel vm8, $0x2380, v0;
	v1 =	vsel vm8, $0x380, v1  }
0xa: {  	vm10 =	vcmask $0x2724;
	s14 =	simm.s32 $0x4200;
	s18 =	simm.s32 $0x0;
	s7 =	sor.u32 s6, s7;
	v0 =	vsel vm9, $0x3000, v0;
	v1 =	vsel vm9, $0x1000, v1  }
0xb: {  	vm11 =	vcmask $0x2B28;
	[smem:$0x7FF] =	sst s2;
	s8 =	sshll.u32 s7, $0x9;
	s7 =	sshll.u32 s7, $0x6;
	v0 =	vsel vm10, $0x3080, v0;
	v1 =	vsel vm10, $0x1080, v1  }
0xc: {  	vm12 =	vcmask $0x2F2C;
	_ =	strace $0x80000047;
	s4 =	sadd.s32 s4, s8;
	s28 =	sadd.s32 s5, s7;
	v0 =	vsel vm11, $0x3100, v0;
	v1 =	vsel vm11, $0x1100, v1  }
0xd: {  	vm13 =	vcmask $0x3330;
	s6 =	ssub.s32 $0x2, s6;
	[dreg:$0x4] =	wrdreg s28;
	s29 =	sadd.s32 $0x4000, s4;
	v0 =	vsel vm12, $0x3180, v0;
	v1 =	vsel vm12, $0x1180, v1  }
0xe: {  	vm14 =	vcmask $0x3734;
	s9 =	sshrl.u32 s6, $0x1;
	s30 =	sadd.s32 $0x8000, s4;
	[dreg:$0x5] =	wrdreg s29;
	v0 =	vsel vm13, $0x3200, v0;
	v1 =	vsel vm13, $0x1200, v1  }
0xf: {  	vm15 =	vcmask $0x3B38;
	s9 =	ssub.s32 s6, s9;
	s31 =	sadd.s32 $0xC000, s4;
	[dreg:$0x6] =	wrdreg s30;
	v0 =	vsel vm14, $0x3280, v0;
	v1 =	vsel vm14, $0x1280, v1  }
0x10: {  	s3 =	sadd.s32 $0x400, s3;
	s9 =	smax.u32 s9, $0x1;
	[dreg:$0x7] =	wrdreg s31;
	v0 =	vsel vm15, $0x3300, v0;
	v1 =	vsel vm15, $0x1300, v1  }
.LBB2_1:
0x11: {  	s0 =	rddreg [dreg:$0x4]  }
0x12: {  	[tilespmem:s2], [sflag:$0x2] =	stream.linear.gather [hbm4b:s0+s2], $0x200, $0x38;
	[tilespmem:$0x8200] =	vst v63  }
0x13: {  	_ =	swait.ge [sflag:s10], $0x200  }
0x14: {  	[sflag:s10] =	ssyncset.done $0x0  }
0x15: {  	s20 =	simm.s32 $0x10;
	[sflag:s10] =	ssyncadd.s32 $0xFFFFFE00  }
0x16: {  	v2 =	vld [tilespmem:s20+$0xFFFFFFF0];
	_ =	sdelay $0x4  }
0x17: {  	v2 =	vshll.u32 v2, $0x4  }
0x18: {  	(v2sf) =	vpush v2, $0x0;
	_ =	sdelay $0x1  }
0x19: {  	(v2sf) =	vpush v2, $0x1;
	_ =	sdelay $0x3  }
0x1a: {  	(v2sf) =	vpush v2, $0x2;
	_ =	sdelay $0x3  }
0x1b: {  	(v2sf) =	vpush v2, $0x3;
	_ =	sdelay $0x3  }
0x1c: {  	(v2sf) =	vpush v2, $0x4  }
0x1d: {  	s19 =	spop (v2sf)  }
0x1e: {  	(v2sf) =	vpush v2, $0x5;
	s19 =	sand.u32 $0x1FFFFFF0, s19  }
0x1f: {  	s21 =	simm.s32 $0x200;
	s22 =	spop (v2sf);
	s19 =	sadd.s32 s3, s19  }
0x20: {  	(v2sf) =	vpush v2, $0x6;
	[tilespmem:s21], [sflag:$0x1] =	stream.strided.gather [hbm4b:s19+s11], $0x0, s12, s11, $0x38;
	[tilespmem:$0x8200] =	vst v63  }
0x21: {  	s22 =	sand.u32 $0x1FFFFFF0, s22  }
0x22: {  	[tilespmem:s21], [sflag:$0x1] =	stream.linear.gather [hbm4b:s19+s2], $0x20, $0x38;
	[tilespmem:$0x8200] =	vst v63  }
0x23: {  	s24 =	spop (v2sf);
	s23 =	sadd.s32 s3, s22;
	s21 =	simm.s32 $0x220  }
0x24: {  	[tilespmem:s21], [sflag:$0x1] =	stream.strided.gather [hbm4b:s23+s11], $0x0, s12, s11, $0x38;
	[tilespmem:$0x8200] =	vst v63  }
0x25: {  	s22 =	sand.u32 $0x1FFFFFF0, s24  }
0x26: {  	[tilespmem:s21], [sflag:$0x1] =	stream.linear.gather [hbm4b:s23+s2], $0x20, $0x38;
	[tilespmem:$0x8200] =	vst v63  }
0x27: {  	s25 =	simm.s32 $0x240;
	s28 =	spop (v2sf);
	s26 =	sadd.s32 s3, s22  }
0x28: {  	(v2sf) =	vpush v2, $0x7;
	[tilespmem:s25], [sflag:$0x1] =	stream.strided.gather [hbm4b:s26+s11], $0x0, s12, s11, $0x38;
	[tilespmem:$0x8200] =	vst v63  }
0x29: {  	s22 =	sand.u32 $0x1FFFFFF0, s28  }
0x2a: {  	[tilespmem:s25], [sflag:$0x1] =	stream.linear.gather [hbm4b:s26+s2], $0x20, $0x38;
	[tilespmem:$0x8200] =	vst v63  }
0x2b: {  	s29 =	simm.s32 $0x260;
	s31 =	spop (v2sf);
	s30 =	sadd.s32 s3, s22  }
0x2c: {  	(v2sf) =	vpush v2, $0x8;
	[tilespmem:s29], [sflag:$0x1] =	stream.strided.gather [hbm4b:s30+s11], $0x0, s12, s11, $0x38;
	[tilespmem:$0x8200] =	vst v63  }
0x2d: {  	s22 =	sand.u32 $0x1FFFFFF0, s31;
	s5 =	spop (v2sf)  }
0x2e: {  	(v2sf) =	vpush v2, $0x9;
	[tilespmem:s29], [sflag:$0x1] =	stream.linear.gather [hbm4b:s30+s2], $0x20, $0x38;
	[tilespmem:$0x8200] =	vst v63  }
0x2f: {  	s0 =	simm.s32 $0x280;
	s1 =	sadd.s32 s3, s22;
	s8 =	spop (v2sf)  }
0x30: {  	(v2sf) =	vpush v2, $0xA;
	[tilespmem:s0], [sflag:$0x1] =	stream.strided.gather [hbm4b:s1+s11], $0x0, s12, s11, $0x38;
	[tilespmem:$0x8200] =	vst v63  }
0x31: {  	s6 =	sand.u32 $0x1FFFFFF0, s5  }
0x32: {  	[tilespmem:s0], [sflag:$0x1] =	stream.linear.gather [hbm4b:s1+s2], $0x20, $0x38;
	[tilespmem:$0x8200] =	vst v63  }
0x33: {  	s7 =	simm.s32 $0x2A0;
	s19 =	sadd.s32 s3, s6  }
0x34: {  	[tilespmem:s7], [sflag:$0x1] =	stream.strided.gather [hbm4b:s19+s11], $0x0, s12, s11, $0x38;
	[tilespmem:$0x8200] =	vst v63  }
0x35: {  	s22 =	sand.u32 $0x1FFFFFF0, s8  }
0x36: {  	(v2sf) =	vpush v2, $0xB;
	[tilespmem:s7], [sflag:$0x1] =	stream.linear.gather [hbm4b:s19+s2], $0x20, $0x38;
	[tilespmem:$0x8200] =	vst v63  }
0x37: {  	s15 =	simm.s32 $0x2C0;
	s17 =	spop (v2sf);
	s16 =	sadd.s32 s3, s22  }
0x38: {  	[tilespmem:s15], [sflag:$0x1] =	stream.strided.gather [hbm4b:s16+s11], $0x0, s12, s11, $0x38;
	[tilespmem:$0x8200] =	vst v63  }
0x39: {  	s23 =	simm.s32 $0x2E0;
	s22 =	sand.u32 $0x1FFFFFF0, s17  }
0x3a: {  	[tilespmem:s15], [sflag:$0x1] =	stream.linear.gather [hbm4b:s16+s2], $0x20, $0x38;
	[tilespmem:$0x8200] =	vst v63  }
0x3b: {  	s21 =	simm.s32 $0x400;
	s25 =	spop (v2sf);
	(v2sf) =	vpush v2, $0xC;
	s24 =	sadd.s32 s3, s22  }
0x3c: {  	[tilespmem:s23], [sflag:$0x1] =	stream.strided.gather [hbm4b:s24+s11], $0x0, s12, s11, $0x38;
	[tilespmem:$0x8200] =	vst v63  }
0x3d: {  	s26 =	simm.s32 $0x300;
	s22 =	sand.u32 $0x1FFFFFF0, s25;
	s29 =	spop (v2sf)  }
0x3e: {  	[tilespmem:s23], [sflag:$0x1] =	stream.linear.gather [hbm4b:s24+s2], $0x20, $0x38;
	[tilespmem:$0x8200] =	vst v63  }
0x3f: {  	s28 =	sadd.s32 s3, s22;
	s22 =	sand.u32 $0x1FFFFFF0, s29;
	s23 =	spop (v2sf);
	(v2sf) =	vpush v2, $0xD  }
0x40: {  	[tilespmem:s26], [sflag:$0x1] =	stream.strided.gather [hbm4b:s28+s11], $0x0, s12, s11, $0x38;
	[tilespmem:$0x8200] =	vst v63  }
0x41: {  	s30 =	simm.s32 $0x320;
	s19 =	simm.s32 $0x400;
	s31 =	sadd.s32 s3, s22  }
0x42: {  	[tilespmem:s26], [sflag:$0x1] =	stream.linear.gather [hbm4b:s28+s2], $0x20, $0x38;
	[tilespmem:$0x8200] =	vst v63  }
0x43: {  	s22 =	simm.s32 $0x0;
	s24 =	simm.s32 $0x340;
	s25 =	sand.u32 $0x1FFFFFF0, s23;
	(v2sf) =	vpush v2, $0xE  }
0x44: {  	[tilespmem:s30], [sflag:$0x1] =	stream.strided.gather [hbm4b:s31+s11], $0x0, s12, s11, $0x38;
	[tilespmem:$0x8200] =	vst v63  }
0x45: {  	s23 =	simm.s32 $0x30;
	s25 =	sadd.s32 s3, s25;
	s26 =	spop (v2sf)  }
0x46: {  	[tilespmem:s30], [sflag:$0x1] =	stream.linear.gather [hbm4b:s31+s2], $0x20, $0x38;
	[tilespmem:$0x8200] =	vst v63  }
.LBB2_2:
0x47: {  	v3 =	vld [tilespmem:s23+$0xFFFFFFF0];
	[tilespmem:s24], [sflag:$0x1] =	stream.strided.gather [hbm4b:s25+s11], $0x0, s12, s11, $0x38;
	(v2sf) =	vpush v2, $0xF  }
0x48: {  	s26 =	sand.u32 $0x1FFFFFF0, s26  }
0x49: {  	[tilespmem:s24], [sflag:$0x1] =	stream.linear.gather [hbm4b:s25+s2], $0x20, $0x38;
	[tilespmem:$0x8200] =	vst v63  }
0x4a: {  	s24 =	sadd.s32 $0xFFFFFF60, s21;
	s25 =	sadd.s32 s3, s26;
	s26 =	spop (v2sf)  }
0x4b: {  	[tilespmem:s24], [sflag:$0x1] =	stream.strided.gather [hbm4b:s25+s11], $0x0, s12, s11, $0x38;
	[tilespmem:$0x8200] =	vst v63  }
0x4c: {  	s26 =	sand.u32 $0x1FFFFFF0, s26;
	v2 =	vshll.u32 v3, $0x4  }
0x4d: {  	(v2sf) =	vpush v2, $0x0;
	[tilespmem:s24], [sflag:$0x1] =	stream.linear.gather [hbm4b:s25+s2], $0x20, $0x38;
	[tilespmem:$0x8200] =	vst v63  }
0x4e: {  	s24 =	sadd.s32 $0xFFFFFF80, s21;
	s25 =	sadd.s32 s3, s26;
	s26 =	spop (v2sf)  }
0x4f: {  	[tilespmem:s24], [sflag:$0x1] =	stream.strided.gather [hbm4b:s25+s11], $0x0, s12, s11, $0x38;
	[tilespmem:$0x8200] =	vst v63  }
0x50: {  	s26 =	sand.u32 $0x1FFFFFF0, s26;
	(v2sf) =	vpush v2, $0x1  }
0x51: {  	[tilespmem:s24], [sflag:$0x1] =	stream.linear.gather [hbm4b:s25+s2], $0x20, $0x38;
	[tilespmem:$0x8200] =	vst v63  }
0x52: {  	s24 =	sadd.s32 $0xFFFFFFA0, s21;
	s25 =	sadd.s32 s3, s26;
	s26 =	spop (v2sf)  }
0x53: {  	[tilespmem:s24], [sflag:$0x1] =	stream.strided.gather [hbm4b:s25+s11], $0x0, s12, s11, $0x38;
	[tilespmem:$0x8200] =	vst v63  }
0x54: {  	s26 =	sand.u32 $0x1FFFFFF0, s26;
	(v2sf) =	vpush v2, $0x2  }
0x55: {  	[tilespmem:s24], [sflag:$0x1] =	stream.linear.gather [hbm4b:s25+s2], $0x20, $0x38;
	[tilespmem:$0x8200] =	vst v63  }
0x56: {  	s24 =	sadd.s32 $0xFFFFFFC0, s21;
	s25 =	sadd.s32 s3, s26;
	s26 =	spop (v2sf)  }
0x57: {  	[tilespmem:s24], [sflag:$0x1] =	stream.strided.gather [hbm4b:s25+s11], $0x0, s12, s11, $0x38;
	[tilespmem:$0x8200] =	vst v63  }
0x58: {  	s26 =	sand.u32 $0x1FFFFFF0, s26;
	(v2sf) =	vpush v2, $0x3  }
0x59: {  	[tilespmem:s24], [sflag:$0x1] =	stream.linear.gather [hbm4b:s25+s2], $0x20, $0x38;
	[tilespmem:$0x8200] =	vst v63  }
0x5a: {  	s24 =	sadd.s32 $0xFFFFFFE0, s21;
	s25 =	sadd.s32 s3, s26  }
0x5b: {  	[tilespmem:s24], [sflag:$0x1] =	stream.strided.gather [hbm4b:s25+s11], $0x0, s12, s11, $0x38;
	[tilespmem:$0x8200] =	vst v63  }
0x5c: {  	s26 =	spop (v2sf);
	(v2sf) =	vpush v2, $0x4  }
0x5d: {  	[tilespmem:s24], [sflag:$0x1] =	stream.linear.gather [hbm4b:s25+s2], $0x20, $0x38;
	[tilespmem:$0x8200] =	vst v63  }
0x5e: {  	s21 =	sadd.s32 $0x400, s21;
	s24 =	sand.u32 $0x1FFFFFF0, s26;
	v3 =	vld [tilespmem:s20+$0x0];
	s20 =	smov.u32 s23  }
0x5f: {  	s25 =	sadd.s32 $0xFFFFFE00, s21;
	s24 =	sadd.s32 s3, s24;
	s26 =	spop (v2sf)  }
0x60: {  	[tilespmem:s25], [sflag:$0x1] =	stream.strided.gather [hbm4b:s24+s11], $0x0, s12, s11, $0x38;
	[tilespmem:$0x8200] =	vst v63  }
0x61: {  	s26 =	sand.u32 $0x1FFFFFF0, s26  }
0x62: {  	[tilespmem:s25], [sflag:$0x1] =	stream.linear.gather [hbm4b:s24+s2], $0x20, $0x38;
	[tilespmem:$0x8200] =	vst v63  }
0x63: {  	s24 =	sadd.s32 $0xFFFFFE20, s21;
	s25 =	sadd.s32 s3, s26;
	s26 =	spop (v2sf);
	v3 =	vshll.u32 v3, $0x4  }
0x64: {  	[tilespmem:s24], [sflag:$0x1] =	stream.strided.gather [hbm4b:s25+s11], $0x0, s12, s11, $0x38;
	(v2sf) =	vpush v3, $0x0;
	[tilespmem:$0x8200] =	vst v63  }
0x65: {  	s26 =	sand.u32 $0x1FFFFFF0, s26  }
0x66: {  	[tilespmem:s24], [sflag:$0x1] =	stream.linear.gather [hbm4b:s25+s2], $0x20, $0x38;
	(v2sf) =	vpush v3, $0x1;
	[tilespmem:$0x8200] =	vst v63  }
0x67: {  	s24 =	sadd.s32 $0xFFFFFE40, s21;
	s25 =	sadd.s32 s3, s26;
	s26 =	spop (v2sf)  }
0x68: {  	[tilespmem:s24], [sflag:$0x1] =	stream.strided.gather [hbm4b:s25+s11], $0x0, s12, s11, $0x38;
	[tilespmem:$0x8200] =	vst v63  }
0x69: {  	s26 =	sand.u32 $0x1FFFFFF0, s26  }
0x6a: {  	[tilespmem:s24], [sflag:$0x1] =	stream.linear.gather [hbm4b:s25+s2], $0x20, $0x38;
	(v2sf) =	vpush v3, $0x2;
	[tilespmem:$0x8200] =	vst v63  }
0x6b: {  	s24 =	sadd.s32 $0xFFFFFE60, s21;
	s25 =	sadd.s32 s3, s26;
	s26 =	spop (v2sf)  }
0x6c: {  	[tilespmem:s24], [sflag:$0x1] =	stream.strided.gather [hbm4b:s25+s11], $0x0, s12, s11, $0x38;
	[tilespmem:$0x8200] =	vst v63  }
0x6d: {  	s26 =	sand.u32 $0x1FFFFFF0, s26  }
0x6e: {  	[tilespmem:s24], [sflag:$0x1] =	stream.linear.gather [hbm4b:s25+s2], $0x20, $0x38;
	(v2sf) =	vpush v3, $0x3;
	[tilespmem:$0x8200] =	vst v63  }
0x6f: {  	s24 =	sadd.s32 $0xFFFFFE80, s21;
	s25 =	sadd.s32 s3, s26  }
0x70: {  	[tilespmem:s24], [sflag:$0x1] =	stream.strided.gather [hbm4b:s25+s11], $0x0, s12, s11, $0x38;
	[tilespmem:$0x8200] =	vst v63  }
0x71: {  	_ = 	snop  }
0x72: {  	[tilespmem:s24], [sflag:$0x1] =	stream.linear.gather [hbm4b:s25+s2], $0x20, $0x38;
	(v2sf) =	vpush v3, $0x4;
	[tilespmem:$0x8200] =	vst v63  }
0x73: {  	s24 =	spop (v2sf)  }
0x74: {  	s24 =	sand.u32 $0x1FFFFFF0, s24  }
0x75: {  	s24 =	sadd.s32 s3, s24;
	s25 =	spop (v2sf)  }
0x76: {  	[tilespmem:s19], [sflag:$0x1] =	stream.strided.gather [hbm4b:s24+s11], $0x0, s12, s11, $0x38;
	(v2sf) =	vpush v3, $0x5;
	[tilespmem:$0x8200] =	vst v63  }
0x77: {  	s25 =	sand.u32 $0x1FFFFFF0, s25  }
0x78: {  	[tilespmem:s19], [sflag:$0x1] =	stream.linear.gather [hbm4b:s24+s2], $0x20, $0x38;
	[tilespmem:$0x8200] =	vst v63  }
0x79: {  	s25 =	sadd.s32 s3, s25;
	s24 =	sadd.s32 $0x20, s19;
	s26 =	spop (v2sf)  }
0x7a: {  	[tilespmem:s24], [sflag:$0x1] =	stream.strided.gather [hbm4b:s25+s11], $0x0, s12, s11, $0x38;
	[tilespmem:$0x8200] =	vst v63  }
0x7b: {  	s26 =	sand.u32 $0x1FFFFFF0, s26  }
0x7c: {  	[tilespmem:s24], [sflag:$0x1] =	stream.linear.gather [hbm4b:s25+s2], $0x20, $0x38;
	(v2sf) =	vpush v3, $0x6;
	[tilespmem:$0x8200] =	vst v63  }
0x7d: {  	s24 =	sadd.s32 $0x40, s19;
	s25 =	sadd.s32 s3, s26;
	s26 =	spop (v2sf)  }
0x7e: {  	[tilespmem:s24], [sflag:$0x1] =	stream.strided.gather [hbm4b:s25+s11], $0x0, s12, s11, $0x38;
	[tilespmem:$0x8200] =	vst v63  }
0x7f: {  	s26 =	sand.u32 $0x1FFFFFF0, s26;
	(v2sf) =	vpush v3, $0x7  }
0x80: {  	[tilespmem:s24], [sflag:$0x1] =	stream.linear.gather [hbm4b:s25+s2], $0x20, $0x38;
	[tilespmem:$0x8200] =	vst v63  }
0x81: {  	s24 =	sadd.s32 $0x60, s19;
	s25 =	sadd.s32 s3, s26;
	s26 =	spop (v2sf)  }
0x82: {  	[tilespmem:s24], [sflag:$0x1] =	stream.strided.gather [hbm4b:s25+s11], $0x0, s12, s11, $0x38;
	[tilespmem:$0x8200] =	vst v63  }
0x83: {  	s26 =	sand.u32 $0x1FFFFFF0, s26;
	(v2sf) =	vpush v3, $0x8  }
0x84: {  	[tilespmem:s24], [sflag:$0x1] =	stream.linear.gather [hbm4b:s25+s2], $0x20, $0x38;
	[tilespmem:$0x8200] =	vst v63  }
0x85: {  	s24 =	sadd.s32 $0x80, s19;
	s25 =	sadd.s32 s3, s26;
	s26 =	spop (v2sf)  }
0x86: {  	[tilespmem:s24], [sflag:$0x1] =	stream.strided.gather [hbm4b:s25+s11], $0x0, s12, s11, $0x38;
	[tilespmem:$0x8200] =	vst v63  }
0x87: {  	s26 =	sand.u32 $0x1FFFFFF0, s26;
	(v2sf) =	vpush v3, $0x9  }
0x88: {  	[tilespmem:s24], [sflag:$0x1] =	stream.linear.gather [hbm4b:s25+s2], $0x20, $0x38;
	[tilespmem:$0x8200] =	vst v63  }
0x89: {  	s24 =	sadd.s32 $0xA0, s19;
	s25 =	sadd.s32 s3, s26  }
0x8a: {  	[tilespmem:s24], [sflag:$0x1] =	stream.strided.gather [hbm4b:s25+s11], $0x0, s12, s11, $0x38;
	[tilespmem:$0x8200] =	vst v63  }
0x8b: {  	s26 =	spop (v2sf);
	(v2sf) =	vpush v3, $0xA  }
0x8c: {  	[tilespmem:s24], [sflag:$0x1] =	stream.linear.gather [hbm4b:s25+s2], $0x20, $0x38;
	[tilespmem:$0x8200] =	vst v63  }
0x8d: {  	s22 =	sadd.s32 $0x2, s22;
	s24 =	sadd.s32 $0xC0, s19;
	s25 =	sand.u32 $0x1FFFFFF0, s26  }
0x8e: {  	p0 =	slt.u32 s22, $0x1E;
	s25 =	sadd.s32 s3, s25;
	s26 =	spop (v2sf)  }
0x8f: {  	[tilespmem:s24], [sflag:$0x1] =	stream.strided.gather [hbm4b:s25+s11], $0x0, s12, s11, $0x38;
	(v2sf) =	vpush v3, $0xB;
	[tilespmem:$0x8200] =	vst v63  }
0x90: {  	s26 =	sand.u32 $0x1FFFFFF0, s26  }
0x91: {  	[tilespmem:s24], [sflag:$0x1] =	stream.linear.gather [hbm4b:s25+s2], $0x20, $0x38;
	[tilespmem:$0x8200] =	vst v63  }
0x92: {  	s24 =	sadd.s32 $0xE0, s19;
	s25 =	sadd.s32 s3, s26;
	s26 =	spop (v2sf)  }
0x93: {  	[tilespmem:s24], [sflag:$0x1] =	stream.strided.gather [hbm4b:s25+s11], $0x0, s12, s11, $0x38;
	(v2sf) =	vpush v3, $0xC;
	[tilespmem:$0x8200] =	vst v63  }
0x94: {  	s26 =	sand.u32 $0x1FFFFFF0, s26  }
0x95: {  	[tilespmem:s24], [sflag:$0x1] =	stream.linear.gather [hbm4b:s25+s2], $0x20, $0x38;
	[tilespmem:$0x8200] =	vst v63  }
0x96: {  	s24 =	sadd.s32 $0x100, s19;
	s25 =	sadd.s32 s3, s26;
	s26 =	spop (v2sf)  }
0x97: {  	[tilespmem:s24], [sflag:$0x1] =	stream.strided.gather [hbm4b:s25+s11], $0x0, s12, s11, $0x38;
	(v2sf) =	vpush v3, $0xD;
	[tilespmem:$0x8200] =	vst v63  }
0x98: {  	s26 =	sand.u32 $0x1FFFFFF0, s26  }
0x99: {  	[tilespmem:s24], [sflag:$0x1] =	stream.linear.gather [hbm4b:s25+s2], $0x20, $0x38;
	[tilespmem:$0x8200] =	vst v63  }
0x9a: {  	s24 =	sadd.s32 $0x120, s19;
	s25 =	sadd.s32 s3, s26;
	s26 =	spop (v2sf)  }
0x9b: {  	[tilespmem:s24], [sflag:$0x1] =	stream.strided.gather [hbm4b:s25+s11], $0x0, s12, s11, $0x38;
	(v2sf) =	vpush v3, $0xE;
	[tilespmem:$0x8200] =	vst v63  }
0x9c: {  	s26 =	sand.u32 $0x1FFFFFF0, s26  }
0x9d: {  	[tilespmem:s24], [sflag:$0x1] =	stream.linear.gather [hbm4b:s25+s2], $0x20, $0x38;
	[tilespmem:$0x8200] =	vst v63  }
0x9e: {  	s24 =	sadd.s32 $0x140, s19;
	s25 =	sadd.s32 s3, s26;
	s26 =	spop (v2sf)  }
0x9f: {  	[tilespmem:s24], [sflag:$0x1] =	stream.strided.gather [hbm4b:s25+s11], $0x0, s12, s11, $0x38;
	(v2sf) =	vpush v3, $0xF;
	[tilespmem:$0x8200] =	vst v63  }
0xa0: {  	s26 =	sand.u32 $0x1FFFFFF0, s26  }
0xa1: {  	[tilespmem:s24], [sflag:$0x1] =	stream.linear.gather [hbm4b:s25+s2], $0x20, $0x38;
	[tilespmem:$0x8200] =	vst v63  }
0xa2: {  	s24 =	sadd.s32 $0x160, s19;
	s25 =	sadd.s32 s3, s26;
	s26 =	spop (v2sf)  }
0xa3: {  	[tilespmem:s24], [sflag:$0x1] =	stream.strided.gather [hbm4b:s25+s11], $0x0, s12, s11, $0x38;
	[tilespmem:$0x8200] =	vst v63  }
0xa4: {  	s26 =	sand.u32 $0x1FFFFFF0, s26  }
0xa5: {  	(v2sf) =	vpush v2, $0x5;
	[tilespmem:s24], [sflag:$0x1] =	stream.linear.gather [hbm4b:s25+s2], $0x20, $0x38;
	[tilespmem:$0x8200] =	vst v63  }
0xa6: {  	s24 =	sadd.s32 $0x180, s19;
	s25 =	sadd.s32 s3, s26;
	s26 =	spop (v2sf)  }
0xa7: {  	[tilespmem:s24], [sflag:$0x1] =	stream.strided.gather [hbm4b:s25+s11], $0x0, s12, s11, $0x38;
	[tilespmem:$0x8200] =	vst v63  }
0xa8: {  	s26 =	sand.u32 $0x1FFFFFF0, s26;
	(v2sf) =	vpush v2, $0x6  }
0xa9: {  	[tilespmem:s24], [sflag:$0x1] =	stream.linear.gather [hbm4b:s25+s2], $0x20, $0x38;
	[tilespmem:$0x8200] =	vst v63  }
0xaa: {  	s24 =	sadd.s32 $0x1A0, s19;
	s25 =	sadd.s32 s3, s26;
	s26 =	spop (v2sf)  }
0xab: {  	[tilespmem:s24], [sflag:$0x1] =	stream.strided.gather [hbm4b:s25+s11], $0x0, s12, s11, $0x38;
	[tilespmem:$0x8200] =	vst v63  }
0xac: {  	s26 =	sand.u32 $0x1FFFFFF0, s26;
	(v2sf) =	vpush v2, $0x7  }
0xad: {  	[tilespmem:s24], [sflag:$0x1] =	stream.linear.gather [hbm4b:s25+s2], $0x20, $0x38;
	[tilespmem:$0x8200] =	vst v63  }
0xae: {  	s24 =	sadd.s32 $0x1C0, s19;
	s25 =	sadd.s32 s3, s26;
	s26 =	spop (v2sf)  }
0xaf: {  	[tilespmem:s24], [sflag:$0x1] =	stream.strided.gather [hbm4b:s25+s11], $0x0, s12, s11, $0x38;
	[tilespmem:$0x8200] =	vst v63  }
0xb0: {  	s26 =	sand.u32 $0x1FFFFFF0, s26;
	(v2sf) =	vpush v2, $0x8  }
0xb1: {  	[tilespmem:s24], [sflag:$0x1] =	stream.linear.gather [hbm4b:s25+s2], $0x20, $0x38;
	[tilespmem:$0x8200] =	vst v63  }
0xb2: {  	s24 =	sadd.s32 $0x1E0, s19;
	s25 =	sadd.s32 s3, s26;
	s19 =	smov.u32 s21  }
0xb3: {  	[tilespmem:s24], [sflag:$0x1] =	stream.strided.gather [hbm4b:s25+s11], $0x0, s12, s11, $0x38;
	[tilespmem:$0x8200] =	vst v63  }
0xb4: {  	s26 =	spop (v2sf);
	(v2sf) =	vpush v2, $0x9  }
0xb5: {  	[tilespmem:s24], [sflag:$0x1] =	stream.linear.gather [hbm4b:s25+s2], $0x20, $0x38;
	[tilespmem:$0x8200] =	vst v63  }
0xb6: {  	s24 =	sand.u32 $0x1FFFFFF0, s26  }
0xb7: {  	s25 =	sadd.s32 $0xFFFFFEA0, s21;
	s24 =	sadd.s32 s3, s24;
	s26 =	spop (v2sf)  }
0xb8: {  	[tilespmem:s25], [sflag:$0x1] =	stream.strided.gather [hbm4b:s24+s11], $0x0, s12, s11, $0x38;
	(v2sf) =	vpush v2, $0xA;
	[tilespmem:$0x8200] =	vst v63  }
0xb9: {  	s26 =	sand.u32 $0x1FFFFFF0, s26  }
0xba: {  	[tilespmem:s25], [sflag:$0x1] =	stream.linear.gather [hbm4b:s24+s2], $0x20, $0x38;
	[tilespmem:$0x8200] =	vst v63  }
0xbb: {  	s24 =	sadd.s32 $0xFFFFFEC0, s21;
	s25 =	sadd.s32 s3, s26;
	s26 =	spop (v2sf)  }
0xbc: {  	[tilespmem:s24], [sflag:$0x1] =	stream.strided.gather [hbm4b:s25+s11], $0x0, s12, s11, $0x38;
	(v2sf) =	vpush v2, $0xB;
	[tilespmem:$0x8200] =	vst v63  }
0xbd: {  	s26 =	sand.u32 $0x1FFFFFF0, s26  }
0xbe: {  	[tilespmem:s24], [sflag:$0x1] =	stream.linear.gather [hbm4b:s25+s2], $0x20, $0x38;
	[tilespmem:$0x8200] =	vst v63  }
0xbf: {  	s24 =	sadd.s32 $0xFFFFFEE0, s21;
	s25 =	sadd.s32 s3, s26;
	s26 =	spop (v2sf)  }
0xc0: {  	[tilespmem:s24], [sflag:$0x1] =	stream.strided.gather [hbm4b:s25+s11], $0x0, s12, s11, $0x38;
	(v2sf) =	vpush v2, $0xC;
	[tilespmem:$0x8200] =	vst v63  }
0xc1: {  	s26 =	sand.u32 $0x1FFFFFF0, s26  }
0xc2: {  	[tilespmem:s24], [sflag:$0x1] =	stream.linear.gather [hbm4b:s25+s2], $0x20, $0x38;
	[tilespmem:$0x8200] =	vst v63  }
0xc3: {  	s24 =	sadd.s32 $0xFFFFFF00, s21;
	s25 =	sadd.s32 s3, s26;
	s26 =	spop (v2sf)  }
0xc4: {  	[tilespmem:s24], [sflag:$0x1] =	stream.strided.gather [hbm4b:s25+s11], $0x0, s12, s11, $0x38;
	(v2sf) =	vpush v2, $0xD;
	[tilespmem:$0x8200] =	vst v63  }
0xc5: {  	s26 =	sand.u32 $0x1FFFFFF0, s26  }
0xc6: {  	[tilespmem:s24], [sflag:$0x1] =	stream.linear.gather [hbm4b:s25+s2], $0x20, $0x38;
	[tilespmem:$0x8200] =	vst v63  }
0xc7: {  	s24 =	sadd.s32 $0xFFFFFF20, s21  }
.Ltmp0:
0xc8: {  	s25 =	sadd.s32 s3, s26;
	s26 =	spop (v2sf);
	(pc) =	sbr.rel @p0 .LBB2_2-.Ltmp0, $4  }
0xc9: {  	[tilespmem:s24], [sflag:$0x1] =	stream.strided.gather [hbm4b:s25+s11], $0x0, s12, s11, $0x38;
	(v2sf) =	vpush v2, $0xE;
	[tilespmem:$0x8200] =	vst v63  }
0xca: {  	s23 =	sadd.s32 $0x20, s23;
	s26 =	sand.u32 $0x1FFFFFF0, s26  }
0xcb: {  	[tilespmem:s24], [sflag:$0x1] =	stream.linear.gather [hbm4b:s25+s2], $0x20, $0x38;
	[tilespmem:$0x8200] =	vst v63  }
0xcc: {  	s24 =	sadd.s32 $0xFFFFFF40, s21;
	s25 =	sadd.s32 s3, s26;
	s26 =	spop (v2sf)  }
0xcd: {  	[tilespmem:s24], [sflag:$0x1] =	stream.strided.gather [hbm4b:s25+s11], $0x0, s12, s11, $0x38;
	(v2sf) =	vpush v2, $0xF;
	[tilespmem:$0x8200] =	vst v63  }
0xce: {  	s22 =	sand.u32 $0x1FFFFFF0, s26  }
0xcf: {  	[tilespmem:s24], [sflag:$0x1] =	stream.linear.gather [hbm4b:s25+s2], $0x20, $0x38;
	[tilespmem:$0x8200] =	vst v63  }
0xd0: {  	s23 =	sadd.s32 $0xFFFFFF60, s21;
	s22 =	sadd.s32 s3, s22;
	s31 =	spop (v2sf)  }
0xd1: {  	[tilespmem:s23], [sflag:$0x1] =	stream.strided.gather [hbm4b:s22+s11], $0x0, s12, s11, $0x38;
	[tilespmem:$0x8200] =	vst v63  }
0xd2: {  	s24 =	sand.u32 $0x1FFFFFF0, s31  }
0xd3: {  	[tilespmem:s23], [sflag:$0x1] =	stream.linear.gather [hbm4b:s22+s2], $0x20, $0x38;
	[tilespmem:$0x8200] =	vst v63  }
0xd4: {  	s0 =	sadd.s32 $0xFFFFFF80, s21;
	s1 =	sadd.s32 s3, s24;
	s5 =	spop (v2sf)  }
0xd5: {  	[tilespmem:s0], [sflag:$0x1] =	stream.strided.gather [hbm4b:s1+s11], $0x0, s12, s11, $0x38;
	[tilespmem:$0x8200] =	vst v63  }
0xd6: {  	s24 =	sand.u32 $0x1FFFFFF0, s5  }
0xd7: {  	[tilespmem:s0], [sflag:$0x1] =	stream.linear.gather [hbm4b:s1+s2], $0x20, $0x38;
	[tilespmem:$0x8200] =	vst v63  }
0xd8: {  	s6 =	sadd.s32 $0xFFFFFFA0, s21;
	s7 =	sadd.s32 s3, s24;
	s8 =	spop (v2sf)  }
0xd9: {  	[tilespmem:s6], [sflag:$0x1] =	stream.strided.gather [hbm4b:s7+s11], $0x0, s12, s11, $0x38;
	[tilespmem:$0x8200] =	vst v63  }
0xda: {  	s24 =	sand.u32 $0x1FFFFFF0, s8  }
0xdb: {  	[tilespmem:s6], [sflag:$0x1] =	stream.linear.gather [hbm4b:s7+s2], $0x20, $0x38;
	[tilespmem:$0x8200] =	vst v63  }
0xdc: {  	s15 =	sadd.s32 $0xFFFFFFC0, s21;
	s16 =	sadd.s32 s3, s24;
	s17 =	spop (v2sf)  }
0xdd: {  	[tilespmem:s15], [sflag:$0x1] =	stream.strided.gather [hbm4b:s16+s11], $0x0, s12, s11, $0x38;
	[tilespmem:$0x8200] =	vst v63  }
0xde: {  	s24 =	sand.u32 $0x1FFFFFF0, s17  }
0xdf: {  	[tilespmem:s15], [sflag:$0x1] =	stream.linear.gather [hbm4b:s16+s2], $0x20, $0x38;
	[tilespmem:$0x8200] =	vst v63  }
0xe0: {  	s22 =	sadd.s32 $0xFFFFFFE0, s21;
	s23 =	sadd.s32 s3, s24  }
0xe1: {  	[tilespmem:s22], [sflag:$0x1] =	stream.strided.gather [hbm4b:s23+s11], $0x0, s12, s11, $0x38;
	[tilespmem:$0x8200] =	vst v63  }
0xe2: {  	_ = 	snop  }
0xe3: {  	[tilespmem:s22], [sflag:$0x1] =	stream.linear.gather [hbm4b:s23+s2], $0x20, $0x38;
	[tilespmem:$0x8200] =	vst v63  }
0xe4: {  	v2 =	vld [tilespmem:s20+$0x0];
	_ =	sdelay $0x4  }
0xe5: {  	v2 =	vshll.u32 v2, $0x4  }
0xe6: {  	(v2sf) =	vpush v2, $0x0;
	_ =	sdelay $0x1  }
0xe7: {  	(v2sf) =	vpush v2, $0x1;
	_ =	sdelay $0x3  }
0xe8: {  	(v2sf) =	vpush v2, $0x2;
	_ =	sdelay $0x3  }
0xe9: {  	(v2sf) =	vpush v2, $0x3;
	_ =	sdelay $0x3  }
0xea: {  	(v2sf) =	vpush v2, $0x4  }
0xeb: {  	s24 =	spop (v2sf)  }
0xec: {  	s20 =	sand.u32 $0x1FFFFFF0, s24  }
0xed: {  	s25 =	spop (v2sf);
	s20 =	sadd.s32 s3, s20  }
0xee: {  	(v2sf) =	vpush v2, $0x5;
	[tilespmem:s19], [sflag:$0x1] =	stream.strided.gather [hbm4b:s20+s11], $0x0, s12, s11, $0x38;
	[tilespmem:$0x8200] =	vst v63  }
0xef: {  	s21 =	sand.u32 $0x1FFFFFF0, s25  }
0xf0: {  	[tilespmem:s19], [sflag:$0x1] =	stream.linear.gather [hbm4b:s20+s2], $0x20, $0x38;
	[tilespmem:$0x8200] =	vst v63  }
0xf1: {  	s26 =	sadd.s32 $0x20, s19;
	s28 =	spop (v2sf);
	s21 =	sadd.s32 s3, s21  }
0xf2: {  	(v2sf) =	vpush v2, $0x6;
	[tilespmem:s26], [sflag:$0x1] =	stream.strided.gather [hbm4b:s21+s11], $0x0, s12, s11, $0x38;
	[tilespmem:$0x8200] =	vst v63  }
0xf3: {  	s22 =	sand.u32 $0x1FFFFFF0, s28  }
0xf4: {  	[tilespmem:s26], [sflag:$0x1] =	stream.linear.gather [hbm4b:s21+s2], $0x20, $0x38;
	[tilespmem:$0x8200] =	vst v63  }
0xf5: {  	s29 =	sadd.s32 $0x40, s19;
	s31 =	spop (v2sf);
	s30 =	sadd.s32 s3, s22  }
0xf6: {  	(v2sf) =	vpush v2, $0x7;
	[tilespmem:s29], [sflag:$0x1] =	stream.strided.gather [hbm4b:s30+s11], $0x0, s12, s11, $0x38;
	[tilespmem:$0x8200] =	vst v63  }
0xf7: {  	s22 =	sand.u32 $0x1FFFFFF0, s31  }
0xf8: {  	[tilespmem:s29], [sflag:$0x1] =	stream.linear.gather [hbm4b:s30+s2], $0x20, $0x38;
	[tilespmem:$0x8200] =	vst v63  }
0xf9: {  	s0 =	sadd.s32 $0x60, s19;
	s5 =	spop (v2sf);
	s1 =	sadd.s32 s3, s22  }
0xfa: {  	(v2sf) =	vpush v2, $0x8;
	[tilespmem:s0], [sflag:$0x1] =	stream.strided.gather [hbm4b:s1+s11], $0x0, s12, s11, $0x38;
	[tilespmem:$0x8200] =	vst v63  }
0xfb: {  	s22 =	sand.u32 $0x1FFFFFF0, s5  }
0xfc: {  	[tilespmem:s0], [sflag:$0x1] =	stream.linear.gather [hbm4b:s1+s2], $0x20, $0x38;
	[tilespmem:$0x8200] =	vst v63  }
0xfd: {  	s6 =	sadd.s32 $0x80, s19;
	s7 =	sadd.s32 s3, s22;
	s8 =	spop (v2sf)  }
0xfe: {  	(v2sf) =	vpush v2, $0x9;
	[tilespmem:s6], [sflag:$0x1] =	stream.strided.gather [hbm4b:s7+s11], $0x0, s12, s11, $0x38;
	[tilespmem:$0x8200] =	vst v63  }
0xff: {  	s22 =	sand.u32 $0x1FFFFFF0, s8  }
0x100: {  	[tilespmem:s6], [sflag:$0x1] =	stream.linear.gather [hbm4b:s7+s2], $0x20, $0x38;
	[tilespmem:$0x8200] =	vst v63  }
0x101: {  	s15 =	sadd.s32 $0xA0, s19;
	s17 =	spop (v2sf);
	s16 =	sadd.s32 s3, s22  }
0x102: {  	(v2sf) =	vpush v2, $0xA;
	[tilespmem:s15], [sflag:$0x1] =	stream.strided.gather [hbm4b:s16+s11], $0x0, s12, s11, $0x38;
	[tilespmem:$0x8200] =	vst v63  }
0x103: {  	s22 =	sand.u32 $0x1FFFFFF0, s17  }
0x104: {  	[tilespmem:s15], [sflag:$0x1] =	stream.linear.gather [hbm4b:s16+s2], $0x20, $0x38;
	[tilespmem:$0x8200] =	vst v63  }
0x105: {  	s23 =	sadd.s32 $0xC0, s19;
	s24 =	spop (v2sf);
	s20 =	sadd.s32 s3, s22  }
0x106: {  	(v2sf) =	vpush v2, $0xB;
	[tilespmem:s23], [sflag:$0x1] =	stream.strided.gather [hbm4b:s20+s11], $0x0, s12, s11, $0x38;
	[tilespmem:$0x8200] =	vst v63  }
0x107: {  	s22 =	sand.u32 $0x1FFFFFF0, s24  }
0x108: {  	[tilespmem:s23], [sflag:$0x1] =	stream.linear.gather [hbm4b:s20+s2], $0x20, $0x38;
	[tilespmem:$0x8200] =	vst v63  }
0x109: {  	s25 =	sadd.s32 $0xE0, s19;
	s28 =	spop (v2sf);
	s26 =	sadd.s32 s3, s22  }
0x10a: {  	(v2sf) =	vpush v2, $0xC;
	[tilespmem:s25], [sflag:$0x1] =	stream.strided.gather [hbm4b:s26+s11], $0x0, s12, s11, $0x38;
	[tilespmem:$0x8200] =	vst v63  }
0x10b: {  	s22 =	sand.u32 $0x1FFFFFF0, s28  }
0x10c: {  	[tilespmem:s25], [sflag:$0x1] =	stream.linear.gather [hbm4b:s26+s2], $0x20, $0x38;
	[tilespmem:$0x8200] =	vst v63  }
0x10d: {  	s29 =	sadd.s32 $0x100, s19;
	s30 =	sadd.s32 s3, s22;
	s31 =	spop (v2sf)  }
0x10e: {  	(v2sf) =	vpush v2, $0xD;
	[tilespmem:s29], [sflag:$0x1] =	stream.strided.gather [hbm4b:s30+s11], $0x0, s12, s11, $0x38;
	[tilespmem:$0x8200] =	vst v63  }
0x10f: {  	s22 =	sand.u32 $0x1FFFFFF0, s31  }
0x110: {  	[tilespmem:s29], [sflag:$0x1] =	stream.linear.gather [hbm4b:s30+s2], $0x20, $0x38;
	[tilespmem:$0x8200] =	vst v63  }
0x111: {  	s0 =	sadd.s32 $0x120, s19;
	s5 =	spop (v2sf);
	s1 =	sadd.s32 s3, s22  }
0x112: {  	(v2sf) =	vpush v2, $0xE;
	[tilespmem:s0], [sflag:$0x1] =	stream.strided.gather [hbm4b:s1+s11], $0x0, s12, s11, $0x38;
	[tilespmem:$0x8200] =	vst v63  }
0x113: {  	s22 =	sand.u32 $0x1FFFFFF0, s5  }
0x114: {  	[tilespmem:s0], [sflag:$0x1] =	stream.linear.gather [hbm4b:s1+s2], $0x20, $0x38;
	[tilespmem:$0x8200] =	vst v63  }
0x115: {  	s6 =	sadd.s32 $0x140, s19;
	s8 =	spop (v2sf);
	s7 =	sadd.s32 s3, s22  }
0x116: {  	(v2sf) =	vpush v2, $0xF;
	[tilespmem:s6], [sflag:$0x1] =	stream.strided.gather [hbm4b:s7+s11], $0x0, s12, s11, $0x38;
	[tilespmem:$0x8200] =	vst v63  }
0x117: {  	s22 =	sand.u32 $0x1FFFFFF0, s8  }
0x118: {  	[tilespmem:s6], [sflag:$0x1] =	stream.linear.gather [hbm4b:s7+s2], $0x20, $0x38;
	[tilespmem:$0x8200] =	vst v63  }
0x119: {  	s15 =	sadd.s32 $0x160, s19;
	s17 =	spop (v2sf);
	s16 =	sadd.s32 s3, s22  }
0x11a: {  	[tilespmem:s15], [sflag:$0x1] =	stream.strided.gather [hbm4b:s16+s11], $0x0, s12, s11, $0x38;
	[tilespmem:$0x8200] =	vst v63  }
0x11b: {  	s22 =	sand.u32 $0x1FFFFFF0, s17  }
0x11c: {  	[tilespmem:s15], [sflag:$0x1] =	stream.linear.gather [hbm4b:s16+s2], $0x20, $0x38;
	[tilespmem:$0x8200] =	vst v63  }
0x11d: {  	s23 =	sadd.s32 $0x180, s19;
	s24 =	sadd.s32 s3, s22;
	s25 =	spop (v2sf)  }
0x11e: {  	[tilespmem:s23], [sflag:$0x1] =	stream.strided.gather [hbm4b:s24+s11], $0x0, s12, s11, $0x38;
	[tilespmem:$0x8200] =	vst v63  }
0x11f: {  	s22 =	sand.u32 $0x1FFFFFF0, s25  }
0x120: {  	[tilespmem:s23], [sflag:$0x1] =	stream.linear.gather [hbm4b:s24+s2], $0x20, $0x38;
	[tilespmem:$0x8200] =	vst v63  }
0x121: {  	s26 =	sadd.s32 $0x1A0, s19;
	s29 =	spop (v2sf);
	s28 =	sadd.s32 s3, s22  }
0x122: {  	[tilespmem:s26], [sflag:$0x1] =	stream.strided.gather [hbm4b:s28+s11], $0x0, s12, s11, $0x38;
	[tilespmem:$0x8200] =	vst v63  }
0x123: {  	s22 =	sand.u32 $0x1FFFFFF0, s29  }
0x124: {  	[tilespmem:s26], [sflag:$0x1] =	stream.linear.gather [hbm4b:s28+s2], $0x20, $0x38;
	[tilespmem:$0x8200] =	vst v63  }
0x125: {  	s30 =	sadd.s32 $0x1C0, s19;
	s0 =	spop (v2sf);
	s31 =	sadd.s32 s3, s22  }
0x126: {  	[tilespmem:s30], [sflag:$0x1] =	stream.strided.gather [hbm4b:s31+s11], $0x0, s12, s11, $0x38;
	[tilespmem:$0x8200] =	vst v63  }
0x127: {  	s22 =	sand.u32 $0x1FFFFFF0, s0  }
0x128: {  	[tilespmem:s30], [sflag:$0x1] =	stream.linear.gather [hbm4b:s31+s2], $0x20, $0x38;
	[tilespmem:$0x8200] =	vst v63  }
0x129: {  	s1 =	sadd.s32 $0x1E0, s19;
	s6 =	simm.s32 $0x0;
	s5 =	sadd.s32 s3, s22  }
0x12a: {  	[tilespmem:s1], [sflag:$0x1] =	stream.strided.gather [hbm4b:s5+s11], $0x0, s12, s11, $0x38;
	[tilespmem:$0x8200] =	vst v63  }
0x12b: {  	s7 =	sand.u32 $0x18, s6  }
0x12c: {  	[tilespmem:s1], [sflag:$0x1] =	stream.linear.gather [hbm4b:s5+s2], $0x20, $0x38;
	[tilespmem:$0x8200] =	vst v63  }
0x12d: {  	v2 =	vmov s7;
	_ =	swait.ge [sflag:s13], $0x4000  }
0x12e: {  	s8 =	simm.s32 $0x8;
	s19 =	simm.s32 $0x300;
	v2 =	vshll.u32 v2, $0x7;
	[sflag:s13] =	ssyncset.done $0x0  }
0x12f: {  	v5 =	vor.u32 v1, v2;
	s15 =	simm.s32 $0x4;
	s23 =	sand.u32 $0x78, s8;
	[sflag:s13] =	ssyncadd.s32 $0xFFFFC000  }
0x130: {  	s22 =	sand.u32 $0x74, s15;
	v3 =	vor.u32 s23, v5;
	v4 =	vld [tilespmem:s19+$0x0]  }
0x131: {  	v6 =	vor.u32 s22, v5;
	v7 =	vld [tilespmem:s19+$0xFFFFFF80];
	_ =	sdelay $0x2  }
0x132: {  	s25 =	sand.u32 $0x70, s6  }
0x133: {  	v28 =	vor.u32 v0, v2;
	v8 =	vor.u32 s25, v5;
	[tilespmem:v3+s14+$0x0] =	vst.idx.msk $0xffff, v4;
	v4 =	vld [tilespmem:s19+$0xFFFFFF00]  }
0x134: {  	v2 =	vor.u32 s23, v28;
	[tilespmem:v6+s14+$0x0] =	vst.idx.msk $0xffff, v7;
	v3 =	vld [tilespmem:s19+$0x10]  }
0x135: {  	s16 =	simm.s32 $0xC;
	v6 =	vor.u32 s22, v28;
	v7 =	vld [tilespmem:s19+$0xFFFFFF90]  }
0x136: {  	s17 =	sand.u32 $0x7C, s16  }
0x137: {  	v9 =	vor.u32 s17, v5;
	v10 =	vld [tilespmem:s19+$0x80]  }
0x138: {  	[tilespmem:v8+s14+$0x0] =	vst.idx.msk $0xffff, v4  }
0x139: {  	s1 =	sor.u32 $0x1, s23;
	v4 =	vor.u32 s25, v28;
	[tilespmem:v2+s14+$0x0] =	vst.idx.msk $0xffff, v3;
	v8 =	vld [tilespmem:s19+$0xFFFFFF10]  }
0x13a: {  	s21 =	sor.u32 $0x1, s22;
	v3 =	vor.u32 s1, v5;
	[tilespmem:v6+s14+$0x0] =	vst.idx.msk $0xffff, v7;
	v2 =	vld [tilespmem:s19+$0x20]  }
0x13b: {  	v6 =	vor.u32 s21, v5;
	v7 =	vld [tilespmem:s19+$0xFFFFFFA0]  }
0x13c: {  	[tilespmem:v9+s14+$0x0] =	vst.idx.msk $0xffff, v10  }
0x13d: {  	v9 =	vor.u32 s17, v28;
	v10 =	vld [tilespmem:s19+$0x90]  }
0x13e: {  	s28 =	sor.u32 $0x1, s25;
	[tilespmem:v4+s14+$0x0] =	vst.idx.msk $0xffff, v8  }
0x13f: {  	v8 =	vor.u32 s28, v5;
	[tilespmem:v3+s14+$0x0] =	vst.idx.msk $0xffff, v2;
	v11 =	vld [tilespmem:s19+$0xFFFFFF20]  }
0x140: {  	s5 =	simm.s32 $0x1;
	v4 =	vor.u32 s1, v28;
	[tilespmem:v6+s14+$0x0] =	vst.idx.msk $0xffff, v7;
	v3 =	vld [tilespmem:s19+$0x30]  }
0x141: {  	s20 =	sand.u32 $0x18, s5;
	v6 =	vor.u32 s21, v28;
	v7 =	vld [tilespmem:s19+$0xFFFFFFB0]  }
0x142: {  	[tilespmem:v9+s14+$0x0] =	vst.idx.msk $0xffff, v10;
	v2 =	vmov s20  }
0x143: {  	s6 =	simm.s32 $0x10;
	s29 =	sor.u32 $0x1, s17;
	v12 =	vld [tilespmem:s19+$0xA0];
	s21 =	simm.s32 $0x500;
	v9 =	vshll.u32 v2, $0x7  }
0x144: {  	s24 =	sand.u32 $0x70, s6;
	v10 =	vor.u32 s29, v5;
	v15 =	vld [tilespmem:s21+$0x0];
	v2 =	vor.u32 v1, v9;
	[tilespmem:v8+s14+$0x0] =	vst.idx.msk $0xffff, v11  }
0x145: {  	s7 =	simm.s32 $0x18;
	[tilespmem:v4+s14+$0x0] =	vst.idx.msk $0xffff, v3;
	v3 =	vld [tilespmem:s21+$0xFFFFFF00];
	v4 =	vor.u32 s24, v2  }
0x146: {  	s20 =	sand.u32 $0x78, s7;
	v13 =	vld [tilespmem:s19+$0xFFFFFF30];
	[tilespmem:v6+s14+$0x0] =	vst.idx.msk $0xffff, v7;
	v6 =	vor.u32 s28, v28  }
0x147: {  	s30 =	sor.u32 $0x2, s23;
	v19 =	vld [tilespmem:s21+$0x80];
	v14 =	vor.u32 s20, v2  }
0x148: {  	s31 =	sor.u32 $0x2, s22;
	v11 =	vor.u32 s30, v5;
	v8 =	vld [tilespmem:s19+$0x40]  }
0x149: {  	s8 =	simm.s32 $0x14;
	[tilespmem:v10+s14+$0x0] =	vst.idx.msk $0xffff, v12;
	v10 =	vor.u32 s31, v5;
	v7 =	vld [tilespmem:s19+$0xFFFFFFC0]  }
0x14a: {  	v12 =	vor.u32 s29, v28;
	s28 =	sand.u32 $0x74, s8;
	[tilespmem:v4+s14+$0x0] =	vst.idx.msk $0xffff, v3;
	v4 =	vld [tilespmem:s19+$0xB0]  }
0x14b: {  	s15 =	sor.u32 $0x2, s25;
	v17 =	vor.u32 s28, v2;
	[tilespmem:v6+s14+$0x0] =	vst.idx.msk $0xffff, v13;
	v6 =	vld [tilespmem:s21+$0xFFFFFF80]  }
0x14c: {  	[tilespmem:v14+s14+$0x0] =	vst.idx.msk $0xffff, v15;
	v13 =	vor.u32 s15, v5;
	v3 =	vor.u32 v0, v9;
	v9 =	vld [tilespmem:s19+$0xFFFFFF40]  }
0x14d: {  	v16 =	vld [tilespmem:s21+$0xFFFFFF10];
	[tilespmem:v11+s14+$0x0] =	vst.idx.msk $0xffff, v8;
	v18 =	vor.u32 s24, v3  }
0x14e: {  	s16 =	simm.s32 $0x1C;
	v15 =	vld [tilespmem:s21+$0x10];
	v14 =	vor.u32 s20, v3;
	[tilespmem:v10+s14+$0x0] =	vst.idx.msk $0xffff, v7  }
0x14f: {  	v11 =	vor.u32 s30, v28;
	s30 =	sand.u32 $0x7C, s16;
	v8 =	vld [tilespmem:s19+$0x50];
	[tilespmem:v12+s14+$0x0] =	vst.idx.msk $0xffff, v4  }
0x150: {  	s0 =	sor.u32 $0x2, s17;
	v32 =	vor.u32 s15, v28;
	v20 =	vor.u32 s30, v2;
	[tilespmem:v17+s14+$0x0] =	vst.idx.msk $0xffff, v6;
	v21 =	vld [tilespmem:s19+$0xC0]  }
0x151: {  	v22 =	vor.u32 s0, v5;
	v37 =	vor.u32 s0, v28;
	v27 =	vor.u32 s31, v28;
	s7 =	sor.u32 $0x1, s28;
	v23 =	vld [tilespmem:s21+$0xFFFFFF90];
	[tilespmem:v13+s14+$0x0] =	vst.idx.msk $0xffff, v9  }
0x152: {  	s17 =	sor.u32 $0x3, s17;
	v24 =	vor.u32 s7, v2;
	v25 =	vor.u32 s28, v3;
	v26 =	vor.u32 s7, v3;
	[tilespmem:v18+s14+$0x0] =	vst.idx.msk $0xffff, v16;
	v18 =	vld [tilespmem:s19+$0xFFFFFFD0]  }
0x153: {  	s1 =	sor.u32 $0x3, s25;
	s5 =	sor.u32 $0x1, s20;
	v7 =	vor.u32 s17, v5;
	v30 =	vor.u32 s30, v3;
	v4 =	vor.u32 s17, v28;
	[tilespmem:v14+s14+$0x0] =	vst.idx.msk $0xffff, v15;
	v35 =	vld [tilespmem:s19+$0xFFFFFF50]  }
0x154: {  	s26 =	sor.u32 $0x3, s23;
	s8 =	sor.u32 $0x3, s28;
	s28 =	sor.u32 $0x2, s28;
	v6 =	vor.u32 s1, v28;
	v15 =	vor.u32 s5, v2;
	[tilespmem:v11+s14+$0x0] =	vst.idx.msk $0xffff, v8;
	v14 =	vld [tilespmem:s21+$0x20]  }
0x155: {  	s6 =	sor.u32 $0x2, s24;
	v9 =	vor.u32 s26, v5;
	v13 =	vor.u32 s28, v3;
	[tilespmem:v20+s14+$0x0] =	vst.idx.msk $0xffff, v19;
	v36 =	vld [tilespmem:s21+$0xFFFFFF20]  }
0x156: {  	s22 =	sor.u32 $0x3, s22;
	v12 =	vor.u32 s6, v2;
	v16 =	vor.u32 s6, v3;
	v8 =	vor.u32 s1, v5;
	v17 =	vld [tilespmem:s19+$0x60];
	[tilespmem:v22+s14+$0x0] =	vst.idx.msk $0xffff, v21  }
0x157: {  	v10 =	vor.u32 s22, v5;
	s17 =	sor.u32 $0x1, s30;
	v5 =	vor.u32 s22, v28;
	v19 =	vor.u32 s8, v2;
	[tilespmem:v25+s14+$0x0] =	vst.idx.msk $0xffff, v23;
	v38 =	vld [tilespmem:s19+$0xD0]  }
0x158: {  	s16 =	sor.u32 $0x1, s24;
	v20 =	vor.u32 s17, v3;
	v28 =	vor.u32 s26, v28;
	v31 =	vld [tilespmem:s21+$0x90];
	[tilespmem:v27+s14+$0x0] =	vst.idx.msk $0xffff, v18  }
0x159: {  	s31 =	sor.u32 $0x3, s24;
	v21 =	vor.u32 s16, v2;
	v22 =	vor.u32 s16, v3;
	v23 =	vor.u32 s17, v2;
	v34 =	vld [tilespmem:s21+$0xFFFFFFA0];
	[tilespmem:v15+s14+$0x0] =	vst.idx.msk $0xffff, v14  }
0x15a: {  	s15 =	sor.u32 $0x2, s30;
	v27 =	vor.u32 s31, v2;
	v18 =	vor.u32 s31, v3;
	[tilespmem:v32+s14+$0x0] =	vst.idx.msk $0xffff, v35;
	v35 =	vor.u32 s5, v3;
	v33 =	vld [tilespmem:s21+$0x30]  }
0x15b: {  	s23 =	simm.s32 $0x4;
	s30 =	sor.u32 $0x3, s30;
	v11 =	vor.u32 s15, v2;
	v15 =	vor.u32 s15, v3;
	v14 =	vor.u32 s8, v3;
	v32 =	vld [tilespmem:s19+$0xFFFFFFE0];
	[tilespmem:v9+s14+$0x0] =	vst.idx.msk $0xffff, v17  }
0x15c: {  	s25 =	simm.s32 $0x20;
	s24 =	simm.s32 $0x2;
	s22 =	simm.s32 $0x500;
	v25 =	vor.u32 s30, v2;
	v17 =	vor.u32 s28, v2;
	v9 =	vor.u32 s30, v3;
	v29 =	vld [tilespmem:s19+$0x70];
	[tilespmem:v37+s14+$0x0] =	vst.idx.msk $0xffff, v38  }
.LBB2_4:
0x15d: {  	s0 =	sand.u32 $0x18, s24;
	s26 =	sadd.s32 $0x8, s25;
	[tilespmem:v30+s14+$0x0] =	vst.idx.msk $0xffff, v31;
	s21 =	sadd.s32 $0x200, s21;
	v30 =	vld [tilespmem:s19+$0xFFFFFF60]  }
0x15e: {  	s23 =	sadd.s32 $0x4, s23;
	v31 =	vmov s0;
	s26 =	sand.u32 $0x78, s26;
	[tilespmem:v24+s14+$0x0] =	vst.idx.msk $0xffff, v34;
	v34 =	vld [tilespmem:s19+$0xE0]  }
0x15f: {  	p0 =	slt.u32 s23, $0x7C;
	v31 =	vshll.u32 v31, $0x7;
	v37 =	vld [tilespmem:s22+$0xFFFFFFB0];
	[tilespmem:v35+s14+$0x0] =	vst.idx.msk $0xffff, v33  }
0x160: {  	s29 =	sadd.s32 $0x4, s25;
	s0 =	sand.u32 $0x70, s25;
	v33 =	vld [tilespmem:s21+$0xFFFFFF00];
	v35 =	vor.u32 v1, v31;
	[tilespmem:v10+s14+$0x0] =	vst.idx.msk $0xffff, v32;
	v10 =	vmov v19  }
0x161: {  	s1 =	sand.u32 $0x74, s29;
	s31 =	sor.u32 $0x1, s0;
	s28 =	sor.u32 $0x2, s0;
	v19 =	vor.u32 s0, v35;
	v32 =	vor.u32 s26, v35;
	[tilespmem:v21+s14+$0x0] =	vst.idx.msk $0xffff, v36;
	v36 =	vld [tilespmem:s22+$0x40]  }
0x162: {  	s17 =	sadd.s32 $0xC, s25;
	s15 =	sor.u32 $0x1, s1;
	s16 =	sor.u32 $0x2, s1;
	v21 =	vor.u32 s31, v35;
	v38 =	vor.u32 s1, v35;
	v39 =	vld [tilespmem:s22+$0xFFFFFF30];
	[tilespmem:v8+s14+$0x0] =	vst.idx.msk $0xffff, v30;
	v8 =	vmov v27  }
0x163: {  	s17 =	sand.u32 $0x7C, s17;
	s29 =	sor.u32 $0x3, s0;
	s30 =	sor.u32 $0x3, s1;
	v24 =	vor.u32 s15, v35;
	v40 =	vor.u32 s16, v35;
	v27 =	vld [tilespmem:s22+$0xA0];
	[tilespmem:v7+s14+$0x0] =	vst.idx.msk $0xffff, v34;
	v7 =	vmov v25  }
0x164: {  	s7 =	sor.u32 $0x2, s20;
	s5 =	sor.u32 $0x1, s17;
	s6 =	sor.u32 $0x2, s17;
	v41 =	vor.u32 s17, v35;
	v34 =	vor.u32 s28, v35;
	[tilespmem:v26+s14+$0x0] =	vst.idx.msk $0xffff, v37;
	v25 =	vld [tilespmem:s19+$0xFFFFFF70]  }
0x165: {  	v42 =	vor.u32 s7, v2;
	s8 =	sor.u32 $0x3, s17;
	v26 =	vor.u32 s5, v35;
	v37 =	vld [tilespmem:s22+$0xFFFFFFC0];
	[tilespmem:v28+s14+$0x0] =	vst.idx.msk $0xffff, v29  }
0x166: {  	v29 =	vor.u32 v0, v31;
	[tilespmem:v19+s14+$0x0] =	vst.idx.msk $0xffff, v33;
	v19 =	vor.u32 s30, v35;
	v33 =	vor.u32 s6, v35;
	v28 =	vld [tilespmem:s19+$0xFFFFFFF0]  }
0x167: {  	v31 =	vor.u32 s0, v29;
	v30 =	vor.u32 s17, v29;
	[tilespmem:v22+s14+$0x0] =	vst.idx.msk $0xffff, v39;
	v39 =	vld [tilespmem:s19+$0xF0];
	s19 =	smov.u32 s22;
	s22 =	smov.u32 s21  }
0x168: {  	v43 =	vor.u32 s1, v29;
	v45 =	vor.u32 s26, v29;
	v44 =	vld [tilespmem:s21+$0x0];
	[tilespmem:v23+s14+$0x0] =	vst.idx.msk $0xffff, v27;
	v23 =	vmov v26  }
0x169: {  	v22 =	vor.u32 s31, v29;
	v26 =	vor.u32 s15, v29;
	v46 =	vld [tilespmem:s19+$0xB0];
	[tilespmem:v6+s14+$0x0] =	vst.idx.msk $0xffff, v25;
	v6 =	vmov v18  }
0x16a: {  	v48 =	vor.u32 s16, v29;
	v49 =	vor.u32 s5, v29;
	v47 =	vld [tilespmem:s21+$0xFFFFFF10];
	[tilespmem:v42+s14+$0x0] =	vst.idx.msk $0xffff, v36  }
0x16b: {  	v50 =	vor.u32 s7, v3;
	v36 =	vor.u32 s28, v29;
	v42 =	vld [tilespmem:s19+$0x50];
	[tilespmem:v5+s14+$0x0] =	vst.idx.msk $0xffff, v28;
	v5 =	vmov v14  }
0x16c: {  	v51 =	vor.u32 s6, v29;
	v25 =	vor.u32 s8, v35;
	v28 =	vld [tilespmem:s21+$0xFFFFFF80];
	[tilespmem:v4+s14+$0x0] =	vst.idx.msk $0xffff, v39;
	v4 =	vmovc v9;
	v9 =	vor.u32 s8, v29  }
0x16d: {  	v27 =	vor.u32 s29, v35;
	v18 =	vor.u32 s29, v29;
	v14 =	vor.u32 s30, v29;
	[tilespmem:v32+s14+$0x0] =	vst.idx.msk $0xffff, v44;
	v32 =	vld [tilespmem:s19+$0xFFFFFF40]  }
0x16e: {  	v39 =	vld [tilespmem:s21+$0x10];
	[tilespmem:v17+s14+$0x0] =	vst.idx.msk $0xffff, v37;
	v17 =	vmov v40  }
0x16f: {  	v37 =	vld [tilespmem:s21+$0x80];
	[tilespmem:v20+s14+$0x0] =	vst.idx.msk $0xffff, v46;
	v20 =	vmov v49  }
0x170: {  	[tilespmem:v50+s14+$0x0] =	vst.idx.msk $0xffff, v42;
	v40 =	vld [tilespmem:s19+$0xC0]  }
0x171: {  	s0 =	sor.u32 $0x3, s20;
	s20 =	smov.u32 s26;
	[tilespmem:v38+s14+$0x0] =	vst.idx.msk $0xffff, v28;
	v38 =	vld [tilespmem:s19+$0x60]  }
0x172: {  	v28 =	vor.u32 s0, v3;
	v3 =	vmovc v29;
	v42 =	vld [tilespmem:s21+$0xFFFFFF90];
	[tilespmem:v12+s14+$0x0] =	vst.idx.msk $0xffff, v32;
	v32 =	vor.u32 s0, v2;
	v2 =	vmovc v35;
	v12 =	vmov v34  }
0x173: {  	s0 =	sor.u32 $0x1, s20;
	[tilespmem:v45+s14+$0x0] =	vst.idx.msk $0xffff, v39;
	v39 =	vld [tilespmem:s19+$0xFFFFFF50]  }
0x174: {  	v44 =	vor.u32 s0, v2;
	[tilespmem:v31+s14+$0x0] =	vst.idx.msk $0xffff, v47;
	v35 =	vld [tilespmem:s21+$0x20]  }
0x175: {  	[tilespmem:v41+s14+$0x0] =	vst.idx.msk $0xffff, v37;
	v37 =	vld [tilespmem:s19+$0xFFFFFFD0]  }
0x176: {  	v31 =	vld [tilespmem:s21+$0x90];
	[tilespmem:v11+s14+$0x0] =	vst.idx.msk $0xffff, v40;
	v11 =	vmov v33  }
0x177: {  	[tilespmem:v32+s14+$0x0] =	vst.idx.msk $0xffff, v38;
	v38 =	vld [tilespmem:s19+$0xD0]  }
.Ltmp1:
0x178: {  	[tilespmem:v43+s14+$0x0] =	vst.idx.msk $0xffff, v42;
	v29 =	vld [tilespmem:s19+$0x70];
	(pc) =	sbr.rel @p0 .LBB2_4-.Ltmp1, $4  }
0x179: {  	v34 =	vld [tilespmem:s21+$0xFFFFFFA0];
	[tilespmem:v44+s14+$0x0] =	vst.idx.msk $0xffff, v35  }
0x17a: {  	v35 =	vor.u32 s0, v3;
	v33 =	vld [tilespmem:s21+$0x30];
	[tilespmem:v13+s14+$0x0] =	vst.idx.msk $0xffff, v37;
	v13 =	vmov v48  }
0x17b: {  	[tilespmem:v16+s14+$0x0] =	vst.idx.msk $0xffff, v39;
	v32 =	vld [tilespmem:s19+$0xFFFFFFE0];
	v16 =	vmov v36  }
0x17c: {  	s24 =	sadd.s32 $0x1, s24;
	s25 =	sadd.s32 $0x10, s25;
	v36 =	vld [tilespmem:s21+$0xFFFFFF20];
	[tilespmem:v15+s14+$0x0] =	vst.idx.msk $0xffff, v38;
	v15 =	vmov v51  }
0x17d: {  	_ =	sdelay $0x3  }
0x17e: {  	[tilespmem:v30+s14+$0x0] =	vst.idx.msk $0xffff, v31  }
0x17f: {  	v30 =	vld [tilespmem:s22+$0xA0];
	_ =	sdelay $0x2  }
0x180: {  	[tilespmem:v24+s14+$0x0] =	vst.idx.msk $0xffff, v34  }
0x181: {  	v24 =	vld [tilespmem:s22+$0xFFFFFFB0];
	[tilespmem:v21+s14+$0x0] =	vst.idx.msk $0xffff, v36  }
0x182: {  	v21 =	vld [tilespmem:s22+$0xFFFFFF30];
	[tilespmem:v23+s14+$0x0] =	vst.idx.msk $0xffff, v30  }
0x183: {  	v23 =	vld [tilespmem:s22+$0xB0];
	_ =	sdelay $0x1  }
0x184: {  	s0 =	sor.u32 $0x2, s20;
	[tilespmem:v35+s14+$0x0] =	vst.idx.msk $0xffff, v33  }
0x185: {  	v48 =	vor.u32 s0, v2;
	v47 =	vld [tilespmem:s22+$0x40];
	[tilespmem:v26+s14+$0x0] =	vst.idx.msk $0xffff, v24  }
0x186: {  	v49 =	vld [tilespmem:s22+$0xFFFFFFC0];
	[tilespmem:v22+s14+$0x0] =	vst.idx.msk $0xffff, v21  }
0x187: {  	v21 =	vld [tilespmem:s22+$0xFFFFFF40];
	[tilespmem:v20+s14+$0x0] =	vst.idx.msk $0xffff, v23  }
0x188: {  	v20 =	vld [tilespmem:s22+$0xC0]  }
0x189: {  	[tilespmem:v28+s14+$0x0] =	vst.idx.msk $0xffff, v29  }
0x18a: {  	v50 =	vld [tilespmem:s19+$0xFFFFFF60];
	[tilespmem:v48+s14+$0x0] =	vst.idx.msk $0xffff, v47  }
0x18b: {  	v53 =	vor.u32 s0, v3;
	v52 =	vld [tilespmem:s22+$0x50];
	[tilespmem:v17+s14+$0x0] =	vst.idx.msk $0xffff, v49  }
0x18c: {  	v17 =	vld [tilespmem:s22+$0xFFFFFFD0];
	[tilespmem:v12+s14+$0x0] =	vst.idx.msk $0xffff, v21  }
0x18d: {  	v12 =	vld [tilespmem:s22+$0xFFFFFF50];
	[tilespmem:v11+s14+$0x0] =	vst.idx.msk $0xffff, v20  }
0x18e: {  	[tilespmem:v10+s14+$0x0] =	vst.idx.msk $0xffff, v32;
	v54 =	vld [tilespmem:s22+$0xD0]  }
0x18f: {  	v51 =	vld [tilespmem:s19+$0xE0];
	[tilespmem:v8+s14+$0x0] =	vst.idx.msk $0xffff, v50  }
0x190: {  	s25 =	sor.u32 $0x3, s20;
	v59 =	vld [tilespmem:s19+$0xFFFFFFF0];
	[tilespmem:v53+s14+$0x0] =	vst.idx.msk $0xffff, v52  }
0x191: {  	v2 =	vor.u32 s25, v2;
	v56 =	vld [tilespmem:s22+$0x60];
	[tilespmem:v13+s14+$0x0] =	vst.idx.msk $0xffff, v17  }
0x192: {  	v58 =	vld [tilespmem:s22+$0xFFFFFFE0];
	[tilespmem:v16+s14+$0x0] =	vst.idx.msk $0xffff, v12  }
0x193: {  	v57 =	vld [tilespmem:s22+$0xFFFFFF60];
	[tilespmem:v15+s14+$0x0] =	vst.idx.msk $0xffff, v54  }
0x194: {  	[tilespmem:v7+s14+$0x0] =	vst.idx.msk $0xffff, v51;
	v8 =	vld [tilespmem:s22+$0xE0]  }
0x195: {  	v55 =	vld [tilespmem:s19+$0xFFFFFF70];
	[tilespmem:v5+s14+$0x0] =	vst.idx.msk $0xffff, v59  }
0x196: {  	v60 =	vld [tilespmem:s19+$0xF0];
	[tilespmem:v2+s14+$0x0] =	vst.idx.msk $0xffff, v56  }
0x197: {  	v2 =	vor.u32 s25, v3;
	v3 =	vld [tilespmem:s22+$0x70];
	[tilespmem:v19+s14+$0x0] =	vst.idx.msk $0xffff, v58  }
0x198: {  	v62 =	vld [tilespmem:s22+$0xFFFFFFF0];
	[tilespmem:v27+s14+$0x0] =	vst.idx.msk $0xffff, v57  }
0x199: {  	v61 =	vld [tilespmem:s22+$0xFFFFFF70];
	[tilespmem:v25+s14+$0x0] =	vst.idx.msk $0xffff, v8  }
0x19a: {  	[tilespmem:v6+s14+$0x0] =	vst.idx.msk $0xffff, v55;
	v63 =	vld [tilespmem:s22+$0xF0]  }
0x19b: {  	[tilespmem:v4+s14+$0x0] =	vst.idx.msk $0xffff, v60  }
0x19c: {  	[tilespmem:v2+s14+$0x0] =	vst.idx.msk $0xffff, v3  }
0x19d: {  	[tilespmem:v14+s14+$0x0] =	vst.idx.msk $0xffff, v62  }
0x19e: {  	[tilespmem:v18+s14+$0x0] =	vst.idx.msk $0xffff, v61  }
0x19f: {  	[tilespmem:v9+s14+$0x0] =	vst.idx.msk $0xffff, v63  }
0x1a0: {  	[hbm4b:s4+s2] =	stream.linear.scatter [tilespmem:s14], [sflag:$0x2], $0x1000, $0x38;
	[tilespmem:$0x8200] =	vst v63  }
0x1a1: {  	_ =	swait.ge [sflag:s10], $0x1000  }
0x1a2: {  	[sflag:s10] =	ssyncset.done $0x0  }
0x1a3: {  	s1 =	simm.s32 $0x5200;
	s26 =	rddreg [dreg:$0x5];
	[sflag:s10] =	ssyncadd.s32 $0xFFFFF000  }
0x1a4: {  	[hbm4b:s26+s2] =	stream.linear.scatter [tilespmem:s1], [sflag:$0x2], $0x1000, $0x38;
	[tilespmem:$0x8200] =	vst v63  }
0x1a5: {  	_ =	swait.ge [sflag:s10], $0x1000  }
0x1a6: {  	[sflag:s10] =	ssyncset.done $0x0  }
0x1a7: {  	s29 =	simm.s32 $0x6200;
	s28 =	rddreg [dreg:$0x6];
	[sflag:s10] =	ssyncadd.s32 $0xFFFFF000  }
0x1a8: {  	[hbm4b:s28+s2] =	stream.linear.scatter [tilespmem:s29], [sflag:$0x2], $0x1000, $0x38;
	[tilespmem:$0x8200] =	vst v63  }
0x1a9: {  	s18 =	sadd.s32 $0x1, s18;
	_ =	swait.ge [sflag:s10], $0x1000  }
0x1aa: {  	s31 =	simm.s32 $0x7200;
	p0 =	sne.s32 s18, s9;
	[sflag:s10] =	ssyncset.done $0x0  }
.Ltmp2:
0x1ab: {  	s30 =	rddreg [dreg:$0x7];
	[sflag:s10] =	ssyncadd.s32 $0xFFFFF000;
	(pc) =	sbr.rel @p0 .LBB2_1-.Ltmp2, $4  }
0x1ac: {  	[hbm4b:s30+s2] =	stream.linear.scatter [tilespmem:s31], [sflag:$0x2], $0x1000, $0x38;
	[tilespmem:$0x8200] =	vst v63  }
0x1ad: {  	_ =	swait.ge [sflag:s10], $0x1000  }
0x1ae: {  	[sflag:s10] =	ssyncset.done $0x0  }
0x1af: {  	[sflag:s10] =	ssyncadd.s32 $0xFFFFF000  }
0x1b0: {  	_ =	sfence.sel $0x180000  }
0x1b1: {  	[bflag:$0x0] =	sbarrier.arrive $0xFFFF  }
0x1b2: {  	_ =	strace $0x90000047  }
0x1b3: {  	s0 =	stileid.u32;
	[bflag:$0x2] =	sbarrier.arrive $0xFFFF  }
0x1b4: {  	p0 =	sne.s32 s0, $0x0;
	s0 =	rddreg [dreg:$0x3]  }
0x1b5: {  	s0 =	sadd.s32 @!p0 $0x100000, s0  }
0x1b6: {  	[sflag:s0] =	ssyncadd.tile.s32 @!p0 $0x1;
	_ =	shalt  }
.Lfunc_end2:
_tile_overlayer_lowered:
.L_overlay_start_2:
0x1b7: {  	(tag) =	ssettag $0x2  }
0x1b8: {  	s0 =	rddreg [dreg:$0x0];
	s2 =	stileid.u32  }
0x1b9: {  	s1 =	rddreg [dreg:$0x1];
	p0 =	sne.s32 s2, $0x0  }
0x1ba: {  	s3 =	rddreg [dreg:$0x2];
	[bflag:$0x3] =	sbarrier.arrive $0xFFFF;
	s2 =	simm.s32 @!p0 $0x1C02  }
0x1bb: {  	[timem:s3], [sflag:s2] =	dma.local @!p0 [hbm:s0], s1  }
0x1bc: {  	s0 =	simm.s32 @!p0 $0x2  }
0x1bd: {  	_ =	swait.ge @!p0 [sflag:s0], s1  }
0x1be: {  	s1 =	ssub.s32 @!p0 $0x0, s1;
	[sflag:s0] =	ssyncset.done @!p0 $0x0  }
0x1bf: {  	[sflag:s0] =	ssyncadd.s32 @!p0 s1  }
0x1c0: {  	[bflag:$0x3] =	sbarrier.arrive $0xFFFF  }
0x1c1: {  	_ =	shalt  }

</sc_bundles>
